<compile_context>
chip_gen: v7x
topology: tpu7x:2x2x1
jax: 0.10.2.dev20260603
libtpu: 0.0.44.dev20260713+nightly
codegen_flags: <defaults>
</compile_context>

<pallas_src>
import functools

import jax
import jax.numpy as jnp
from jax import lax
from jax.experimental import pallas as pl
from jax.experimental.pallas import tpu as pltpu
from jax.experimental.pallas import tpu_sc as plsc

N_TOKENS = 204800
N_BAGS = 4096
EMB_DIM = 64
VOCAB = 100000

NUM_CORES = 2
NUM_SUBCORES = 16
NUM_WORKERS = NUM_CORES * NUM_SUBCORES
LANES = 16
DGRP = EMB_DIM // LANES

TOK_PER_W = N_TOKENS // NUM_WORKERS
TOK_PER_T = N_TOKENS // NUM_SUBCORES
BAGS_PER_T = N_BAGS // NUM_SUBCORES
CHUNK = 128
N_CHUNKS = TOK_PER_W // CHUNK


def _zeros16(dtype):
    return jnp.zeros((LANES,), dtype)


def _sc_body(input_hbm, offsets_hbm, weights_hbm, table_hbm, partials_hbm,
             m_shared, s_shared, acc_shared,
             mslice_v, idx2_v, ones_v, rows_v, w_v, cseg_v, s16_v, tvec_v,
             tokidx_v, sem):
    cid = lax.axis_index("c")
    sid = lax.axis_index("s")
    wid = sid * NUM_CORES + cid

    def zero_mslice(k, carry):
        mslice_v[pl.ds(k * LANES, LANES)] = _zeros16(jnp.int32)
        return carry
    lax.fori_loop(0, TOK_PER_T // LANES, zero_mslice, 0)
    pltpu.sync_copy(mslice_v, m_shared.at[pl.ds(sid * TOK_PER_T, TOK_PER_T)])

    def zero_rows(i, carry):
        for j in range(DGRP):
            rows_v[i, pl.ds(j * LANES, LANES)] = _zeros16(jnp.float32)
        return carry
    lax.fori_loop(0, CHUNK, zero_rows, 0)
    for half in range(BAGS_PER_T // CHUNK):
        pltpu.sync_copy(
            rows_v,
            acc_shared.at[pl.ds(sid * BAGS_PER_T + half * CHUNK, CHUNK)])

    for j in range(BAGS_PER_T // CHUNK):
        pltpu.sync_copy(
            offsets_hbm.at[pl.ds(sid * BAGS_PER_T + j * CHUNK, CHUNK)],
            idx2_v.at[j])
    def fill_ones(k, carry):
        ones_v[pl.ds(k * LANES, LANES)] = jnp.full((LANES,), 1, jnp.int32)
        return carry
    lax.fori_loop(0, CHUNK // LANES, fill_ones, 0)

    plsc.subcore_barrier()

    for j in range(BAGS_PER_T // CHUNK):
        pltpu.sync_copy(ones_v, m_shared.at[idx2_v.at[j]], add=True)

    plsc.subcore_barrier()

    pltpu.sync_copy(m_shared.at[pl.ds(sid * TOK_PER_T, TOK_PER_T)], mslice_v)

    def cumsum_body(k, carry):
        v = mslice_v[pl.ds(k * LANES, LANES)]
        cs = plsc.cumsum(v) + carry
        mslice_v[pl.ds(k * LANES, LANES)] = cs
        return cs[LANES - 1]
    total = lax.fori_loop(0, TOK_PER_T // LANES, cumsum_body,
                          jnp.int32(0))

    pltpu.sync_copy(mslice_v, m_shared.at[pl.ds(sid * TOK_PER_T, TOK_PER_T)])
    tvec_v[pl.ds(0, LANES)] = jnp.full((LANES,), 1, jnp.int32) * total
    pltpu.sync_copy(tvec_v, s_shared.at[sid])

    plsc.subcore_barrier()

    pltpu.sync_copy(s_shared, s16_v)
    owner = wid * TOK_PER_W // TOK_PER_T
    base = jnp.int32(0)
    for i in range(NUM_SUBCORES):
        ti = s16_v[i, pl.ds(0, LANES)][0]
        base = base + jnp.where(i < owner, ti, jnp.int32(0))
    seg_bias = base - 1

    def chunk_body(k, carry):
        tok0 = wid * TOK_PER_W + k * CHUNK
        pltpu.sync_copy(input_hbm.at[pl.ds(tok0, CHUNK)], tokidx_v)
        pltpu.async_copy(table_hbm.at[tokidx_v], rows_v, sem).wait()
        pltpu.sync_copy(weights_hbm.at[pl.ds(tok0, CHUNK)],
                        w_v.at[pl.ds(0, CHUNK)])
        pltpu.sync_copy(m_shared.at[pl.ds(tok0, CHUNK)], cseg_v.at[0])

        for g in range(CHUNK // LANES):
            sl = pl.ds(g * LANES, LANES)
            cseg_v[0, sl] = cseg_v[0, sl] + seg_bias

        def tok_body(r, carry2):
            wgt = w_v[pl.ds(r, LANES)][0]
            for j in range(DGRP):
                sl = pl.ds(j * LANES, LANES)
                rows_v[r, sl] = rows_v[r, sl] * wgt
            return carry2
        lax.fori_loop(0, CHUNK, tok_body, 0)

        pltpu.sync_copy(rows_v, acc_shared.at[cseg_v.at[0]], add=True)
        return carry

    lax.fori_loop(0, N_CHUNKS, chunk_body, 0)

    plsc.subcore_barrier()

    for half in range(BAGS_PER_T // CHUNK):
        row0 = sid * BAGS_PER_T + half * CHUNK
        pltpu.sync_copy(acc_shared.at[pl.ds(row0, CHUNK)],
                        partials_hbm.at[cid, pl.ds(row0, CHUNK)])


def _combine_body(p_ref, o_ref):
    o_ref[...] = p_ref[0] + p_ref[1]


def kernel(input_, offsets, emb_weights, emb_table):
    mesh = plsc.VectorSubcoreMesh(core_axis_name="c", subcore_axis_name="s")
    sc_fn = pl.kernel(
        _sc_body,
        mesh=mesh,
        out_type=jax.ShapeDtypeStruct((NUM_CORES, N_BAGS, EMB_DIM),
                                      jnp.float32),
        scratch_types=[
            pltpu.VMEM_SHARED((N_TOKENS,), jnp.int32),
            pltpu.VMEM_SHARED((NUM_SUBCORES, LANES), jnp.int32),
            pltpu.VMEM_SHARED((N_BAGS, EMB_DIM), jnp.float32),
            pltpu.VMEM((TOK_PER_T,), jnp.int32),
            pltpu.VMEM((BAGS_PER_T // CHUNK, CHUNK), jnp.int32),
            pltpu.VMEM((CHUNK,), jnp.int32),
            pltpu.VMEM((CHUNK, EMB_DIM), jnp.float32),
            pltpu.VMEM((CHUNK + LANES,), jnp.float32),
            pltpu.VMEM((1, CHUNK), jnp.int32),
            pltpu.VMEM((NUM_SUBCORES, LANES), jnp.int32),
            pltpu.VMEM((LANES,), jnp.int32),
            pltpu.VMEM((CHUNK,), jnp.int32),
            pltpu.SemaphoreType.DMA,
        ],
        compiler_params=pltpu.CompilerParams(needs_layout_passes=False,
                                             use_tc_tiling_on_sc=False),
    )
    partials = sc_fn(input_.astype(jnp.int32), offsets.astype(jnp.int32),
                     emb_weights, emb_table)

    combine = pl.pallas_call(
        _combine_body,
        out_shape=jax.ShapeDtypeStruct((N_BAGS, EMB_DIM), jnp.float32),
    )
    return combine(partials)

# --- scband reference (transcript-rebuilt; emitter-appended) ---
"""Pipeline reference for scband-mm-average-attention-8538394984703 (READ-ONLY COPY).

The authoritative reference and input builder live on the scoring server;
editing this copy changes nothing except your own understanding.
"""

import jax, jax.numpy as jnp
import numpy as np

N_TOKENS = 204800
N_BAGS = 4096
VOCAB = 100000
EMB_DIM = 64


def setup_inputs(seed: int = 0) -> dict:
    key = jax.random.key(seed)
    k1, k2, k3, k4 = jax.random.split(key, 4)
    input_ = jax.random.randint(k1, (N_TOKENS,), 0, VOCAB)
    offsets = jnp.sort(jax.random.randint(k2, (N_BAGS,), 0, N_TOKENS))
    # EmbeddingBag-style offsets: first bag starts at 0
    offsets = offsets.at[0].set(0)
    emb_weights = jax.random.uniform(k3, (N_TOKENS,), dtype=jnp.float32)
    emb_table = jax.random.normal(k4, (VOCAB, EMB_DIM), dtype=jnp.float32)
    return {
        "input_": input_,
        "offsets": offsets,
        "emb_weights": emb_weights,
        "emb_table": emb_table,
    }


def reference(input_, offsets, emb_weights, emb_table):
    # self.emb(input_): embedding gather -> [N, D]
    x = jnp.take(emb_table, input_, axis=0)
    # optional per-token weights (attention weights)
    x = x * emb_weights[:, None]
    # build_lens(input_, offsets): lens[i] = offsets[i+1] - offsets[i], last = N - offsets[-1]
    # sum_var_parts(x, lens, w): sparse-matmul / segment-sum of variable-length parts
    n = input_.shape[0]
    b = offsets.shape[0]
    seg_ids = jnp.searchsorted(offsets, jnp.arange(n), side="right") - 1
    out = jax.ops.segment_sum(x, seg_ids, num_segments=b)
    return out

if __name__ == "__main__":
    import jax
    _d = setup_inputs()
    print(jax.jit(kernel)(*tuple(_d.values())))

</pallas_src>

<mosaic_0001>
#map = affine_map<(d0, d1) -> (0)>
#map1 = affine_map<(d0, d1) -> (0, 0)>
#map2 = affine_map<(d0, d1) -> (0, 0, 0)>
module attributes {stable_mosaic.version = 14 : i64} {
  func.func @_sc_body(%arg0: i32, %arg1: i32, %arg2: memref<204800xi32, #tpu.memory_space<hbm>>, %arg3: memref<4096xi32, #tpu.memory_space<hbm>>, %arg4: memref<204800xf32, #tpu.memory_space<hbm>>, %arg5: memref<100000x64xf32, #tpu.memory_space<hbm>>, %arg6: memref<2x4096x64xf32, #tpu.memory_space<hbm>>, %arg7: memref<204800xi32, #tpu.memory_space<vmem_shared>>, %arg8: memref<16x16xi32, #tpu.memory_space<vmem_shared>>, %arg9: memref<4096x64xf32, #tpu.memory_space<vmem_shared>>, %arg10: memref<12800xi32, #tpu.memory_space<vmem>>, %arg11: memref<2x128xi32, #tpu.memory_space<vmem>>, %arg12: memref<128xi32, #tpu.memory_space<vmem>>, %arg13: memref<128x64xf32, #tpu.memory_space<vmem>>, %arg14: memref<144xf32, #tpu.memory_space<vmem>>, %arg15: memref<1x128xi32, #tpu.memory_space<vmem>>, %arg16: memref<16x16xi32, #tpu.memory_space<vmem>>, %arg17: memref<16xi32, #tpu.memory_space<vmem>>, %arg18: memref<128xi32, #tpu.memory_space<vmem>>, %arg19: memref<!tpu.dma_semaphore, #tpu.memory_space<semaphore_mem>>) attributes {dimension_semantics = [#tpu.dimension_semantics<core_parallel>, #tpu.dimension_semantics<subcore_parallel>], iteration_bounds = array<i64: 2, 16>, scalar_prefetch = 0 : i64, scratch_operands = 13 : i64, tpu.core_type = #tpu.core_type<sc_vector_subcore>, window_params = [{transform_indices = #map}, {transform_indices = #map}, {transform_indices = #map}, {transform_indices = #map1}, {transform_indices = #map2}]} {
    %mul3A = arith.constant 2 : i32
    %mul3A_0 = arith.muli %arg1, %mul3A : i32
    %add3A = arith.addi %mul3A_0, %arg0 : i32
    %scan3A = arith.constant 0 : i32
    %scan3A_1 = arith.constant 0 : i32
    %scan3A_2 = arith.constant 800 : i32
    %scan3A_3 = arith.addi %scan3A_1, %scan3A_2 : i32
    %scan3A_4 = arith.constant 1 : i32
    scf.for %scan3A_264 = %scan3A_1 to %scan3A_3 step %scan3A_4  : i32 {
      %broadcast_in_dim3A_265 = arith.constant 0 : i32
      %broadcast_in_dim3A_266 = vector.broadcast %broadcast_in_dim3A_265 : i32 to vector<16xi32>
      %mul3A_267 = arith.constant 16 : i32
      %mul3A_268 = arith.muli %scan3A_264, %mul3A_267 : i32
      %swap3A_269 = arith.index_cast %mul3A_268 : i32 to index
      %swap3A_270 = tpu.vector_load %arg10[%swap3A_269] {strides = array<i32>} : memref<12800xi32, #tpu.memory_space<vmem>>, vector<16xi32>,
      tpu.vector_store %arg10[%swap3A_269], %broadcast_in_dim3A_266 {strides = array<i32>} : memref<12800xi32, #tpu.memory_space<vmem>>, vector<16xi32>,
    }
    %scan3A_5 = arith.constant 800 : i32
    %mul3A_6 = arith.constant 12800 : i32
    %mul3A_7 = arith.muli %arg1, %mul3A_6 : i32
    "tpu.region"() ({
      %run_scoped3A_264 = tpu.sem_alloc : memref<!tpu.dma_semaphore, #tpu.memory_space<semaphore_mem>>
      %dma_start3A = tpu.memref_slice %arg7[%mul3A_7] : memref<204800xi32, #tpu.memory_space<vmem_shared>> -> memref<12800xi32, #tpu.memory_space<vmem_shared>>
      %dma_start3A_265 = tpu.memref_slice %arg7[%mul3A_7] : memref<204800xi32, #tpu.memory_space<vmem_shared>> -> memref<12800xi32, #tpu.memory_space<vmem_shared>>
      tpu.enqueue_dma source(%arg10 : memref<12800xi32, #tpu.memory_space<vmem>>) target(%dma_start3A_265 : memref<12800xi32, #tpu.memory_space<vmem_shared>>) target_semaphore(%run_scoped3A_264 : memref<!tpu.dma_semaphore, #tpu.memory_space<semaphore_mem>>)
      %dma_wait3A = tpu.memref_slice %arg7[%mul3A_7] : memref<204800xi32, #tpu.memory_space<vmem_shared>> -> memref<12800xi32, #tpu.memory_space<vmem_shared>>
      %dma_wait3A_266 = tpu.memref_slice %arg7[%mul3A_7] : memref<204800xi32, #tpu.memory_space<vmem_shared>> -> memref<12800xi32, #tpu.memory_space<vmem_shared>>
      tpu.wait_dma2 semaphore(%run_scoped3A_264 : memref<!tpu.dma_semaphore, #tpu.memory_space<semaphore_mem>>) src(%arg10 : memref<12800xi32, #tpu.memory_space<vmem>>) dst(%dma_wait3A_266 : memref<12800xi32, #tpu.memory_space<vmem_shared>>)
      tpu.yield
    }) : () -> ()
    %scan3A_8 = arith.constant 0 : i32
    %scan3A_9 = arith.constant 0 : i32
    %scan3A_10 = arith.constant 128 : i32
    %scan3A_11 = arith.addi %scan3A_9, %scan3A_10 : i32
    %scan3A_12 = arith.constant 1 : i32
    scf.for %scan3A_264 = %scan3A_9 to %scan3A_11 step %scan3A_12  : i32 {
      %broadcast_in_dim3A_265 = arith.constant 0.000000e+00 : f32
      %broadcast_in_dim3A_266 = vector.broadcast %broadcast_in_dim3A_265 : f32 to vector<16xf32>
      %swap3A_267 = arith.index_cast %scan3A_264 : i32 to index
      %swap3A_268 = arith.constant 0 : index
      %swap3A_269 = tpu.vector_load %arg13[%swap3A_267, %swap3A_268] {strides = array<i32>} : memref<128x64xf32, #tpu.memory_space<vmem>>, vector<16xf32>,
      tpu.vector_store %arg13[%swap3A_267, %swap3A_268], %broadcast_in_dim3A_266 {strides = array<i32>} : memref<128x64xf32, #tpu.memory_space<vmem>>, vector<16xf32>,
      %broadcast_in_dim3A_270 = arith.constant 0.000000e+00 : f32
      %broadcast_in_dim3A_271 = vector.broadcast %broadcast_in_dim3A_270 : f32 to vector<16xf32>
      %swap3A_272 = arith.index_cast %scan3A_264 : i32 to index
      %swap3A_273 = arith.constant 16 : index
      %swap3A_274 = tpu.vector_load %arg13[%swap3A_272, %swap3A_273] {strides = array<i32>} : memref<128x64xf32, #tpu.memory_space<vmem>>, vector<16xf32>,
      tpu.vector_store %arg13[%swap3A_272, %swap3A_273], %broadcast_in_dim3A_271 {strides = array<i32>} : memref<128x64xf32, #tpu.memory_space<vmem>>, vector<16xf32>,
      %broadcast_in_dim3A_275 = arith.constant 0.000000e+00 : f32
      %broadcast_in_dim3A_276 = vector.broadcast %broadcast_in_dim3A_275 : f32 to vector<16xf32>
      %swap3A_277 = arith.index_cast %scan3A_264 : i32 to index
      %swap3A_278 = arith.constant 32 : index
      %swap3A_279 = tpu.vector_load %arg13[%swap3A_277, %swap3A_278] {strides = array<i32>} : memref<128x64xf32, #tpu.memory_space<vmem>>, vector<16xf32>,
      tpu.vector_store %arg13[%swap3A_277, %swap3A_278], %broadcast_in_dim3A_276 {strides = array<i32>} : memref<128x64xf32, #tpu.memory_space<vmem>>, vector<16xf32>,
      %broadcast_in_dim3A_280 = arith.constant 0.000000e+00 : f32
      %broadcast_in_dim3A_281 = vector.broadcast %broadcast_in_dim3A_280 : f32 to vector<16xf32>
      %swap3A_282 = arith.index_cast %scan3A_264 : i32 to index
      %swap3A_283 = arith.constant 48 : index
      %swap3A_284 = tpu.vector_load %arg13[%swap3A_282, %swap3A_283] {strides = array<i32>} : memref<128x64xf32, #tpu.memory_space<vmem>>, vector<16xf32>,
      tpu.vector_store %arg13[%swap3A_282, %swap3A_283], %broadcast_in_dim3A_281 {strides = array<i32>} : memref<128x64xf32, #tpu.memory_space<vmem>>, vector<16xf32>,
    }
    %scan3A_13 = arith.constant 128 : i32
    %mul3A_14 = arith.constant 256 : i32
    %mul3A_15 = arith.muli %arg1, %mul3A_14 : i32
    %add3A_16 = arith.constant 0 : i32
    %add3A_17 = arith.addi %mul3A_15, %add3A_16 : i32
    "tpu.region"() ({
      %run_scoped3A_264 = tpu.sem_alloc : memref<!tpu.dma_semaphore, #tpu.memory_space<semaphore_mem>>
      %dma_start3A = arith.constant 0 : i32
      %dma_start3A_265 = tpu.memref_slice %arg9[%add3A_17, %dma_start3A] : memref<4096x64xf32, #tpu.memory_space<vmem_shared>> -> memref<128x64xf32, #tpu.memory_space<vmem_shared>>
      %dma_start3A_266 = arith.constant 0 : i32
      %dma_start3A_267 = tpu.memref_slice %arg9[%add3A_17, %dma_start3A_266] : memref<4096x64xf32, #tpu.memory_space<vmem_shared>> -> memref<128x64xf32, #tpu.memory_space<vmem_shared>>
      tpu.enqueue_dma source(%arg13 : memref<128x64xf32, #tpu.memory_space<vmem>>) target(%dma_start3A_267 : memref<128x64xf32, #tpu.memory_space<vmem_shared>>) target_semaphore(%run_scoped3A_264 : memref<!tpu.dma_semaphore, #tpu.memory_space<semaphore_mem>>)
      %dma_wait3A = arith.constant 0 : i32
      %dma_wait3A_268 = tpu.memref_slice %arg9[%add3A_17, %dma_wait3A] : memref<4096x64xf32, #tpu.memory_space<vmem_shared>> -> memref<128x64xf32, #tpu.memory_space<vmem_shared>>
      %dma_wait3A_269 = arith.constant 0 : i32
      %dma_wait3A_270 = tpu.memref_slice %arg9[%add3A_17, %dma_wait3A_269] : memref<4096x64xf32, #tpu.memory_space<vmem_shared>> -> memref<128x64xf32, #tpu.memory_space<vmem_shared>>
      tpu.wait_dma2 semaphore(%run_scoped3A_264 : memref<!tpu.dma_semaphore, #tpu.memory_space<semaphore_mem>>) src(%arg13 : memref<128x64xf32, #tpu.memory_space<vmem>>) dst(%dma_wait3A_270 : memref<128x64xf32, #tpu.memory_space<vmem_shared>>)
      tpu.yield
    }) : () -> ()
    %mul3A_18 = arith.constant 256 : i32
    %mul3A_19 = arith.muli %arg1, %mul3A_18 : i32
    %add3A_20 = arith.constant 128 : i32
    %add3A_21 = arith.addi %mul3A_19, %add3A_20 : i32
    "tpu.region"() ({
      %run_scoped3A_264 = tpu.sem_alloc : memref<!tpu.dma_semaphore, #tpu.memory_space<semaphore_mem>>
      %dma_start3A = arith.constant 0 : i32
      %dma_start3A_265 = tpu.memref_slice %arg9[%add3A_21, %dma_start3A] : memref<4096x64xf32, #tpu.memory_space<vmem_shared>> -> memref<128x64xf32, #tpu.memory_space<vmem_shared>>
      %dma_start3A_266 = arith.constant 0 : i32
      %dma_start3A_267 = tpu.memref_slice %arg9[%add3A_21, %dma_start3A_266] : memref<4096x64xf32, #tpu.memory_space<vmem_shared>> -> memref<128x64xf32, #tpu.memory_space<vmem_shared>>
      tpu.enqueue_dma source(%arg13 : memref<128x64xf32, #tpu.memory_space<vmem>>) target(%dma_start3A_267 : memref<128x64xf32, #tpu.memory_space<vmem_shared>>) target_semaphore(%run_scoped3A_264 : memref<!tpu.dma_semaphore, #tpu.memory_space<semaphore_mem>>)
      %dma_wait3A = arith.constant 0 : i32
      %dma_wait3A_268 = tpu.memref_slice %arg9[%add3A_21, %dma_wait3A] : memref<4096x64xf32, #tpu.memory_space<vmem_shared>> -> memref<128x64xf32, #tpu.memory_space<vmem_shared>>
      %dma_wait3A_269 = arith.constant 0 : i32
      %dma_wait3A_270 = tpu.memref_slice %arg9[%add3A_21, %dma_wait3A_269] : memref<4096x64xf32, #tpu.memory_space<vmem_shared>> -> memref<128x64xf32, #tpu.memory_space<vmem_shared>>
      tpu.wait_dma2 semaphore(%run_scoped3A_264 : memref<!tpu.dma_semaphore, #tpu.memory_space<semaphore_mem>>) src(%arg13 : memref<128x64xf32, #tpu.memory_space<vmem>>) dst(%dma_wait3A_270 : memref<128x64xf32, #tpu.memory_space<vmem_shared>>)
      tpu.yield
    }) : () -> ()
    %mul3A_22 = arith.constant 256 : i32
    %mul3A_23 = arith.muli %arg1, %mul3A_22 : i32
    %add3A_24 = arith.constant 0 : i32
    %add3A_25 = arith.addi %mul3A_23, %add3A_24 : i32
    %run_scoped3A = arith.constant 0 : i32
    "tpu.region"() ({
      %run_scoped3A_264 = tpu.sem_alloc : memref<!tpu.dma_semaphore, #tpu.memory_space<semaphore_mem>>
      %dma_start3A = arith.constant 0 : i32
      %dma_start3A_265 = tpu.memref_slice %arg11[%run_scoped3A, %dma_start3A] : memref<2x128xi32, #tpu.memory_space<vmem>> -> memref<1x128xi32, #tpu.memory_space<vmem>>
      %dma_start3A_266 = tpu.memref_squeeze %dma_start3A_265 : memref<1x128xi32, #tpu.memory_space<vmem>> -> memref<128xi32, #tpu.memory_space<vmem>>
      %dma_start3A_267 = tpu.memref_slice %arg3[%add3A_25] : memref<4096xi32, #tpu.memory_space<hbm>> -> memref<128xi32, #tpu.memory_space<hbm>>
      %dma_start3A_268 = arith.constant 0 : i32
      %dma_start3A_269 = tpu.memref_slice %arg11[%run_scoped3A, %dma_start3A_268] : memref<2x128xi32, #tpu.memory_space<vmem>> -> memref<1x128xi32, #tpu.memory_space<vmem>>
      %dma_start3A_270 = tpu.memref_squeeze %dma_start3A_269 : memref<1x128xi32, #tpu.memory_space<vmem>> -> memref<128xi32, #tpu.memory_space<vmem>>
      %dma_start3A_271 = tpu.memref_slice %arg3[%add3A_25] : memref<4096xi32, #tpu.memory_space<hbm>> -> memref<128xi32, #tpu.memory_space<hbm>>
      tpu.enqueue_dma source(%dma_start3A_271 : memref<128xi32, #tpu.memory_space<hbm>>) target(%dma_start3A_270 : memref<128xi32, #tpu.memory_space<vmem>>) target_semaphore(%run_scoped3A_264 : memref<!tpu.dma_semaphore, #tpu.memory_space<semaphore_mem>>)
      %dma_wait3A = arith.constant 0 : i32
      %dma_wait3A_272 = tpu.memref_slice %arg11[%run_scoped3A, %dma_wait3A] : memref<2x128xi32, #tpu.memory_space<vmem>> -> memref<1x128xi32, #tpu.memory_space<vmem>>
      %dma_wait3A_273 = tpu.memref_squeeze %dma_wait3A_272 : memref<1x128xi32, #tpu.memory_space<vmem>> -> memref<128xi32, #tpu.memory_space<vmem>>
      %dma_wait3A_274 = tpu.memref_slice %arg3[%add3A_25] : memref<4096xi32, #tpu.memory_space<hbm>> -> memref<128xi32, #tpu.memory_space<hbm>>
      %dma_wait3A_275 = arith.constant 0 : i32
      %dma_wait3A_276 = tpu.memref_slice %arg11[%run_scoped3A, %dma_wait3A_275] : memref<2x128xi32, #tpu.memory_space<vmem>> -> memref<1x128xi32, #tpu.memory_space<vmem>>
      %dma_wait3A_277 = tpu.memref_squeeze %dma_wait3A_276 : memref<1x128xi32, #tpu.memory_space<vmem>> -> memref<128xi32, #tpu.memory_space<vmem>>
      %dma_wait3A_278 = tpu.memref_slice %arg3[%add3A_25] : memref<4096xi32, #tpu.memory_space<hbm>> -> memref<128xi32, #tpu.memory_space<hbm>>
      tpu.wait_dma2 semaphore(%run_scoped3A_264 : memref<!tpu.dma_semaphore, #tpu.memory_space<semaphore_mem>>) src(%dma_wait3A_278 : memref<128xi32, #tpu.memory_space<hbm>>) dst(%dma_wait3A_277 : memref<128xi32, #tpu.memory_space<vmem>>)
      tpu.yield
    }) : () -> ()
    %mul3A_26 = arith.constant 256 : i32
    %mul3A_27 = arith.muli %arg1, %mul3A_26 : i32
    %add3A_28 = arith.constant 128 : i32
    %add3A_29 = arith.addi %mul3A_27, %add3A_28 : i32
    %run_scoped3A_30 = arith.constant 1 : i32
    "tpu.region"() ({
      %run_scoped3A_264 = tpu.sem_alloc : memref<!tpu.dma_semaphore, #tpu.memory_space<semaphore_mem>>
      %dma_start3A = arith.constant 0 : i32
      %dma_start3A_265 = tpu.memref_slice %arg11[%run_scoped3A_30, %dma_start3A] : memref<2x128xi32, #tpu.memory_space<vmem>> -> memref<1x128xi32, #tpu.memory_space<vmem>>
      %dma_start3A_266 = tpu.memref_squeeze %dma_start3A_265 : memref<1x128xi32, #tpu.memory_space<vmem>> -> memref<128xi32, #tpu.memory_space<vmem>>
      %dma_start3A_267 = tpu.memref_slice %arg3[%add3A_29] : memref<4096xi32, #tpu.memory_space<hbm>> -> memref<128xi32, #tpu.memory_space<hbm>>
      %dma_start3A_268 = arith.constant 0 : i32
      %dma_start3A_269 = tpu.memref_slice %arg11[%run_scoped3A_30, %dma_start3A_268] : memref<2x128xi32, #tpu.memory_space<vmem>> -> memref<1x128xi32, #tpu.memory_space<vmem>>
      %dma_start3A_270 = tpu.memref_squeeze %dma_start3A_269 : memref<1x128xi32, #tpu.memory_space<vmem>> -> memref<128xi32, #tpu.memory_space<vmem>>
      %dma_start3A_271 = tpu.memref_slice %arg3[%add3A_29] : memref<4096xi32, #tpu.memory_space<hbm>> -> memref<128xi32, #tpu.memory_space<hbm>>
      tpu.enqueue_dma source(%dma_start3A_271 : memref<128xi32, #tpu.memory_space<hbm>>) target(%dma_start3A_270 : memref<128xi32, #tpu.memory_space<vmem>>) target_semaphore(%run_scoped3A_264 : memref<!tpu.dma_semaphore, #tpu.memory_space<semaphore_mem>>)
      %dma_wait3A = arith.constant 0 : i32
      %dma_wait3A_272 = tpu.memref_slice %arg11[%run_scoped3A_30, %dma_wait3A] : memref<2x128xi32, #tpu.memory_space<vmem>> -> memref<1x128xi32, #tpu.memory_space<vmem>>
      %dma_wait3A_273 = tpu.memref_squeeze %dma_wait3A_272 : memref<1x128xi32, #tpu.memory_space<vmem>> -> memref<128xi32, #tpu.memory_space<vmem>>
      %dma_wait3A_274 = tpu.memref_slice %arg3[%add3A_29] : memref<4096xi32, #tpu.memory_space<hbm>> -> memref<128xi32, #tpu.memory_space<hbm>>
      %dma_wait3A_275 = arith.constant 0 : i32
      %dma_wait3A_276 = tpu.memref_slice %arg11[%run_scoped3A_30, %dma_wait3A_275] : memref<2x128xi32, #tpu.memory_space<vmem>> -> memref<1x128xi32, #tpu.memory_space<vmem>>
      %dma_wait3A_277 = tpu.memref_squeeze %dma_wait3A_276 : memref<1x128xi32, #tpu.memory_space<vmem>> -> memref<128xi32, #tpu.memory_space<vmem>>
      %dma_wait3A_278 = tpu.memref_slice %arg3[%add3A_29] : memref<4096xi32, #tpu.memory_space<hbm>> -> memref<128xi32, #tpu.memory_space<hbm>>
      tpu.wait_dma2 semaphore(%run_scoped3A_264 : memref<!tpu.dma_semaphore, #tpu.memory_space<semaphore_mem>>) src(%dma_wait3A_278 : memref<128xi32, #tpu.memory_space<hbm>>) dst(%dma_wait3A_277 : memref<128xi32, #tpu.memory_space<vmem>>)
      tpu.yield
    }) : () -> ()
    %scan3A_31 = arith.constant 0 : i32
    %scan3A_32 = arith.constant 0 : i32
    %scan3A_33 = arith.constant 8 : i32
    %scan3A_34 = arith.addi %scan3A_32, %scan3A_33 : i32
    %scan3A_35 = arith.constant 1 : i32
    scf.for %scan3A_264 = %scan3A_32 to %scan3A_34 step %scan3A_35  : i32 {
      %broadcast_in_dim3A_265 = arith.constant 1 : i32
      %broadcast_in_dim3A_266 = vector.broadcast %broadcast_in_dim3A_265 : i32 to vector<16xi32>
      %mul3A_267 = arith.constant 16 : i32
      %mul3A_268 = arith.muli %scan3A_264, %mul3A_267 : i32
      %swap3A_269 = arith.index_cast %mul3A_268 : i32 to index
      %swap3A_270 = tpu.vector_load %arg12[%swap3A_269] {strides = array<i32>} : memref<128xi32, #tpu.memory_space<vmem>>, vector<16xi32>,
      tpu.vector_store %arg12[%swap3A_269], %broadcast_in_dim3A_266 {strides = array<i32>} : memref<128xi32, #tpu.memory_space<vmem>>, vector<16xi32>,
    }
    %scan3A_36 = arith.constant 8 : i32
    %barrier3A = arith.constant 0 : index
    tpu.barrier barrier_id(%barrier3A)
    %run_scoped3A_37 = arith.constant 0 : i32
    "tpu.region"() ({
      %run_scoped3A_264 = tpu.sem_alloc : memref<!tpu.dma_semaphore, #tpu.memory_space<semaphore_mem>>
      %dma_start3A = arith.constant 0 : i32
      %dma_start3A_265 = tpu.memref_slice %arg11[%run_scoped3A_37, %dma_start3A] : memref<2x128xi32, #tpu.memory_space<vmem>> -> memref<1x128xi32, #tpu.memory_space<vmem>>
      %dma_start3A_266 = tpu.memref_squeeze %dma_start3A_265 : memref<1x128xi32, #tpu.memory_space<vmem>> -> memref<128xi32, #tpu.memory_space<vmem>>
      %dma_start3A_267 = arith.constant 0 : i32
      %dma_start3A_268 = tpu.memref_slice %arg7[%dma_start3A_267] : memref<204800xi32, #tpu.memory_space<vmem_shared>> -> memref<204800xi32, #tpu.memory_space<vmem_shared>>
      tpu.enqueue_indirect_dma source(%arg12 : memref<128xi32, #tpu.memory_space<vmem>>) target(%dma_start3A_268 : memref<204800xi32, #tpu.memory_space<vmem_shared>>) offsets(%dma_start3A_266 : memref<128xi32, #tpu.memory_space<vmem>>) semaphore(%run_scoped3A_264 : memref<!tpu.dma_semaphore, #tpu.memory_space<semaphore_mem>>) {add = true}
      %dma_wait3A = arith.constant 0 : i32
      %dma_wait3A_269 = tpu.memref_slice %arg11[%run_scoped3A_37, %dma_wait3A] : memref<2x128xi32, #tpu.memory_space<vmem>> -> memref<1x128xi32, #tpu.memory_space<vmem>>
      %dma_wait3A_270 = tpu.memref_squeeze %dma_wait3A_269 : memref<1x128xi32, #tpu.memory_space<vmem>> -> memref<128xi32, #tpu.memory_space<vmem>>
      %dma_wait3A_271 = arith.constant 0 : i32
      %dma_wait3A_272 = tpu.memref_slice %arg7[%dma_wait3A_271] : memref<204800xi32, #tpu.memory_space<vmem_shared>> -> memref<204800xi32, #tpu.memory_space<vmem_shared>>
      tpu.wait_indirect_dma semaphore(%run_scoped3A_264 : memref<!tpu.dma_semaphore, #tpu.memory_space<semaphore_mem>>) src(%arg12 : memref<128xi32, #tpu.memory_space<vmem>>) dst(%dma_wait3A_272 : memref<204800xi32, #tpu.memory_space<vmem_shared>>)
      tpu.yield
    }) : () -> ()
    %run_scoped3A_38 = arith.constant 1 : i32
    "tpu.region"() ({
      %run_scoped3A_264 = tpu.sem_alloc : memref<!tpu.dma_semaphore, #tpu.memory_space<semaphore_mem>>
      %dma_start3A = arith.constant 0 : i32
      %dma_start3A_265 = tpu.memref_slice %arg11[%run_scoped3A_38, %dma_start3A] : memref<2x128xi32, #tpu.memory_space<vmem>> -> memref<1x128xi32, #tpu.memory_space<vmem>>
      %dma_start3A_266 = tpu.memref_squeeze %dma_start3A_265 : memref<1x128xi32, #tpu.memory_space<vmem>> -> memref<128xi32, #tpu.memory_space<vmem>>
      %dma_start3A_267 = arith.constant 0 : i32
      %dma_start3A_268 = tpu.memref_slice %arg7[%dma_start3A_267] : memref<204800xi32, #tpu.memory_space<vmem_shared>> -> memref<204800xi32, #tpu.memory_space<vmem_shared>>
      tpu.enqueue_indirect_dma source(%arg12 : memref<128xi32, #tpu.memory_space<vmem>>) target(%dma_start3A_268 : memref<204800xi32, #tpu.memory_space<vmem_shared>>) offsets(%dma_start3A_266 : memref<128xi32, #tpu.memory_space<vmem>>) semaphore(%run_scoped3A_264 : memref<!tpu.dma_semaphore, #tpu.memory_space<semaphore_mem>>) {add = true}
      %dma_wait3A = arith.constant 0 : i32
      %dma_wait3A_269 = tpu.memref_slice %arg11[%run_scoped3A_38, %dma_wait3A] : memref<2x128xi32, #tpu.memory_space<vmem>> -> memref<1x128xi32, #tpu.memory_space<vmem>>
      %dma_wait3A_270 = tpu.memref_squeeze %dma_wait3A_269 : memref<1x128xi32, #tpu.memory_space<vmem>> -> memref<128xi32, #tpu.memory_space<vmem>>
      %dma_wait3A_271 = arith.constant 0 : i32
      %dma_wait3A_272 = tpu.memref_slice %arg7[%dma_wait3A_271] : memref<204800xi32, #tpu.memory_space<vmem_shared>> -> memref<204800xi32, #tpu.memory_space<vmem_shared>>
      tpu.wait_indirect_dma semaphore(%run_scoped3A_264 : memref<!tpu.dma_semaphore, #tpu.memory_space<semaphore_mem>>) src(%arg12 : memref<128xi32, #tpu.memory_space<vmem>>) dst(%dma_wait3A_272 : memref<204800xi32, #tpu.memory_space<vmem_shared>>)
      tpu.yield
    }) : () -> ()
    %barrier3A_39 = arith.constant 0 : index
    tpu.barrier barrier_id(%barrier3A_39)
    %mul3A_40 = arith.constant 12800 : i32
    %mul3A_41 = arith.muli %arg1, %mul3A_40 : i32
    "tpu.region"() ({
      %run_scoped3A_264 = tpu.sem_alloc : memref<!tpu.dma_semaphore, #tpu.memory_space<semaphore_mem>>
      %dma_start3A = tpu.memref_slice %arg7[%mul3A_41] : memref<204800xi32, #tpu.memory_space<vmem_shared>> -> memref<12800xi32, #tpu.memory_space<vmem_shared>>
      %dma_start3A_265 = tpu.memref_slice %arg7[%mul3A_41] : memref<204800xi32, #tpu.memory_space<vmem_shared>> -> memref<12800xi32, #tpu.memory_space<vmem_shared>>
      tpu.enqueue_dma source(%dma_start3A_265 : memref<12800xi32, #tpu.memory_space<vmem_shared>>) target(%arg10 : memref<12800xi32, #tpu.memory_space<vmem>>) target_semaphore(%run_scoped3A_264 : memref<!tpu.dma_semaphore, #tpu.memory_space<semaphore_mem>>)
      %dma_wait3A = tpu.memref_slice %arg7[%mul3A_41] : memref<204800xi32, #tpu.memory_space<vmem_shared>> -> memref<12800xi32, #tpu.memory_space<vmem_shared>>
      %dma_wait3A_266 = tpu.memref_slice %arg7[%mul3A_41] : memref<204800xi32, #tpu.memory_space<vmem_shared>> -> memref<12800xi32, #tpu.memory_space<vmem_shared>>
      tpu.wait_dma2 semaphore(%run_scoped3A_264 : memref<!tpu.dma_semaphore, #tpu.memory_space<semaphore_mem>>) src(%dma_wait3A_266 : memref<12800xi32, #tpu.memory_space<vmem_shared>>) dst(%arg10 : memref<12800xi32, #tpu.memory_space<vmem>>)
      tpu.yield
    }) : () -> ()
    %scan3A_42 = arith.constant 0 : i32
    %scan3A_43 = arith.constant 0 : i32
    %scan3A_44 = arith.constant 800 : i32
    %scan3A_45 = arith.addi %scan3A_43, %scan3A_44 : i32
    %scan3A_46 = arith.constant 1 : i32
    %scan3A_47 = scf.for %scan3A_264 = %scan3A_43 to %scan3A_45 step %scan3A_46 iter_args(%scan3A_265 = %scan3A_42) -> (i32)  : i32 {
      %mul3A_266 = arith.constant 16 : i32
      %mul3A_267 = arith.muli %scan3A_264, %mul3A_266 : i32
      %get3A_268 = arith.index_cast %mul3A_267 : i32 to index
      %get3A_269 = tpu.vector_load %arg10[%get3A_268] {strides = array<i32>} : memref<12800xi32, #tpu.memory_space<vmem>>, vector<16xi32>,
      %broadcast_in_dim3A_270 = arith.constant true
      %broadcast_in_dim3A_271 = vector.broadcast %broadcast_in_dim3A_270 : i1 to vector<16xi1>
      %masked_cumsum3A = tpu.scan <sum>, %get3A_269 masked %broadcast_in_dim3A_271 : vector<16xi32>, vector<16xi1> -> vector<16xi32>
      %add3A_272 = vector.broadcast %scan3A_265 : i32 to vector<16xi32>
      %add3A_273 = arith.addi %masked_cumsum3A, %add3A_272 : vector<16xi32>
      %mul3A_274 = arith.constant 16 : i32
      %mul3A_275 = arith.muli %scan3A_264, %mul3A_274 : i32
      %swap3A_276 = arith.index_cast %mul3A_275 : i32 to index
      %swap3A_277 = tpu.vector_load %arg10[%swap3A_276] {strides = array<i32>} : memref<12800xi32, #tpu.memory_space<vmem>>, vector<16xi32>,
      tpu.vector_store %arg10[%swap3A_276], %add3A_273 {strides = array<i32>} : memref<12800xi32, #tpu.memory_space<vmem>>, vector<16xi32>,
      %slice3A_278 = vector.extract_strided_slice %add3A_273 {offsets = [15], sizes = [1], strides = [1]} : vector<16xi32> to vector<1xi32>
      %squeeze3A_279 = vector.extract %slice3A_278[0] : i32 from vector<1xi32>
      scf.yield %squeeze3A_279 : i32
    }
    %scan3A_48 = arith.constant 800 : i32
    %mul3A_49 = arith.constant 12800 : i32
    %mul3A_50 = arith.muli %arg1, %mul3A_49 : i32
    "tpu.region"() ({
      %run_scoped3A_264 = tpu.sem_alloc : memref<!tpu.dma_semaphore, #tpu.memory_space<semaphore_mem>>
      %dma_start3A = tpu.memref_slice %arg7[%mul3A_50] : memref<204800xi32, #tpu.memory_space<vmem_shared>> -> memref<12800xi32, #tpu.memory_space<vmem_shared>>
      %dma_start3A_265 = tpu.memref_slice %arg7[%mul3A_50] : memref<204800xi32, #tpu.memory_space<vmem_shared>> -> memref<12800xi32, #tpu.memory_space<vmem_shared>>
      tpu.enqueue_dma source(%arg10 : memref<12800xi32, #tpu.memory_space<vmem>>) target(%dma_start3A_265 : memref<12800xi32, #tpu.memory_space<vmem_shared>>) target_semaphore(%run_scoped3A_264 : memref<!tpu.dma_semaphore, #tpu.memory_space<semaphore_mem>>)
      %dma_wait3A = tpu.memref_slice %arg7[%mul3A_50] : memref<204800xi32, #tpu.memory_space<vmem_shared>> -> memref<12800xi32, #tpu.memory_space<vmem_shared>>
      %dma_wait3A_266 = tpu.memref_slice %arg7[%mul3A_50] : memref<204800xi32, #tpu.memory_space<vmem_shared>> -> memref<12800xi32, #tpu.memory_space<vmem_shared>>
      tpu.wait_dma2 semaphore(%run_scoped3A_264 : memref<!tpu.dma_semaphore, #tpu.memory_space<semaphore_mem>>) src(%arg10 : memref<12800xi32, #tpu.memory_space<vmem>>) dst(%dma_wait3A_266 : memref<12800xi32, #tpu.memory_space<vmem_shared>>)
      tpu.yield
    }) : () -> ()
    %broadcast_in_dim3A = arith.constant 1 : i32
    %broadcast_in_dim3A_51 = vector.broadcast %broadcast_in_dim3A : i32 to vector<16xi32>
    %mul3A_52 = vector.broadcast %scan3A_47 : i32 to vector<16xi32>
    %mul3A_53 = arith.muli %broadcast_in_dim3A_51, %mul3A_52 : vector<16xi32>
    %swap3A = arith.constant 0 : index
    %swap3A_54 = tpu.vector_load %arg17[%swap3A] {strides = array<i32>} : memref<16xi32, #tpu.memory_space<vmem>>, vector<16xi32>,
    tpu.vector_store %arg17[%swap3A], %mul3A_53 {strides = array<i32>} : memref<16xi32, #tpu.memory_space<vmem>>, vector<16xi32>,
    "tpu.region"() ({
      %run_scoped3A_264 = tpu.sem_alloc : memref<!tpu.dma_semaphore, #tpu.memory_space<semaphore_mem>>
      %dma_start3A = arith.constant 0 : i32
      %dma_start3A_265 = tpu.memref_slice %arg8[%arg1, %dma_start3A] : memref<16x16xi32, #tpu.memory_space<vmem_shared>> -> memref<1x16xi32, #tpu.memory_space<vmem_shared>>
      %dma_start3A_266 = tpu.memref_squeeze %dma_start3A_265 : memref<1x16xi32, #tpu.memory_space<vmem_shared>> -> memref<16xi32, #tpu.memory_space<vmem_shared>>
      %dma_start3A_267 = arith.constant 0 : i32
      %dma_start3A_268 = tpu.memref_slice %arg8[%arg1, %dma_start3A_267] : memref<16x16xi32, #tpu.memory_space<vmem_shared>> -> memref<1x16xi32, #tpu.memory_space<vmem_shared>>
      %dma_start3A_269 = tpu.memref_squeeze %dma_start3A_268 : memref<1x16xi32, #tpu.memory_space<vmem_shared>> -> memref<16xi32, #tpu.memory_space<vmem_shared>>
      tpu.enqueue_dma source(%arg17 : memref<16xi32, #tpu.memory_space<vmem>>) target(%dma_start3A_269 : memref<16xi32, #tpu.memory_space<vmem_shared>>) target_semaphore(%run_scoped3A_264 : memref<!tpu.dma_semaphore, #tpu.memory_space<semaphore_mem>>)
      %dma_wait3A = arith.constant 0 : i32
      %dma_wait3A_270 = tpu.memref_slice %arg8[%arg1, %dma_wait3A] : memref<16x16xi32, #tpu.memory_space<vmem_shared>> -> memref<1x16xi32, #tpu.memory_space<vmem_shared>>
      %dma_wait3A_271 = tpu.memref_squeeze %dma_wait3A_270 : memref<1x16xi32, #tpu.memory_space<vmem_shared>> -> memref<16xi32, #tpu.memory_space<vmem_shared>>
      %dma_wait3A_272 = arith.constant 0 : i32
      %dma_wait3A_273 = tpu.memref_slice %arg8[%arg1, %dma_wait3A_272] : memref<16x16xi32, #tpu.memory_space<vmem_shared>> -> memref<1x16xi32, #tpu.memory_space<vmem_shared>>
      %dma_wait3A_274 = tpu.memref_squeeze %dma_wait3A_273 : memref<1x16xi32, #tpu.memory_space<vmem_shared>> -> memref<16xi32, #tpu.memory_space<vmem_shared>>
      tpu.wait_dma2 semaphore(%run_scoped3A_264 : memref<!tpu.dma_semaphore, #tpu.memory_space<semaphore_mem>>) src(%arg17 : memref<16xi32, #tpu.memory_space<vmem>>) dst(%dma_wait3A_274 : memref<16xi32, #tpu.memory_space<vmem_shared>>)
      tpu.yield
    }) : () -> ()
    %barrier3A_55 = arith.constant 0 : index
    tpu.barrier barrier_id(%barrier3A_55)
    "tpu.region"() ({
      %run_scoped3A_264 = tpu.sem_alloc : memref<!tpu.dma_semaphore, #tpu.memory_space<semaphore_mem>>
      tpu.enqueue_dma source(%arg8 : memref<16x16xi32, #tpu.memory_space<vmem_shared>>) target(%arg16 : memref<16x16xi32, #tpu.memory_space<vmem>>) target_semaphore(%run_scoped3A_264 : memref<!tpu.dma_semaphore, #tpu.memory_space<semaphore_mem>>)
      tpu.wait_dma2 semaphore(%run_scoped3A_264 : memref<!tpu.dma_semaphore, #tpu.memory_space<semaphore_mem>>) src(%arg8 : memref<16x16xi32, #tpu.memory_space<vmem_shared>>) dst(%arg16 : memref<16x16xi32, #tpu.memory_space<vmem>>)
      tpu.yield
    }) : () -> ()
    %mul3A_56 = arith.constant 6400 : i32
    %mul3A_57 = arith.muli %add3A, %mul3A_56 : i32
    %jit3A = arith.constant 12800 : i32
    %div3A = arith.divsi %mul3A_57, %jit3A : i32
    %sign3A = arith.constant 0 : i32
    %sign3A_58 = arith.cmpi sgt, %mul3A_57, %sign3A : i32
    %sign3A_59 = arith.extui %sign3A_58 : i1 to i32
    %sign3A_60 = arith.constant 0 : i32
    %sign3A_61 = arith.cmpi slt, %mul3A_57, %sign3A_60 : i32
    %sign3A_62 = arith.extui %sign3A_61 : i1 to i32
    %sign3A_63 = arith.subi %sign3A_59, %sign3A_62 : i32
    %sign3A_64 = arith.constant 0 : i32
    %sign3A_65 = arith.cmpi sgt, %jit3A, %sign3A_64 : i32
    %sign3A_66 = arith.extui %sign3A_65 : i1 to i32
    %sign3A_67 = arith.constant 0 : i32
    %sign3A_68 = arith.cmpi slt, %jit3A, %sign3A_67 : i32
    %sign3A_69 = arith.extui %sign3A_68 : i1 to i32
    %sign3A_70 = arith.subi %sign3A_66, %sign3A_69 : i32
    %ne3A = arith.cmpi ne, %sign3A_63, %sign3A_70 : i32
    %rem3A = arith.remsi %mul3A_57, %jit3A : i32
    %ne3A_71 = arith.constant 0 : i32
    %ne3A_72 = arith.cmpi ne, %rem3A, %ne3A_71 : i32
    %and3A = arith.andi %ne3A, %ne3A_72 : i1
    %sub3A = arith.constant 1 : i32
    %sub3A_73 = arith.subi %div3A, %sub3A : i32
    %select_n3A = arith.select %and3A, %sub3A_73, %div3A : i32
    %get3A = arith.constant 0 : i32
    %get3A_74 = arith.index_cast %get3A : i32 to index
    %get3A_75 = arith.constant 0 : index
    %get3A_76 = tpu.vector_load %arg16[%get3A_74, %get3A_75] {strides = array<i32>} : memref<16x16xi32, #tpu.memory_space<vmem>>, vector<16xi32>,
    %slice3A = vector.extract_strided_slice %get3A_76 {offsets = [0], sizes = [1], strides = [1]} : vector<16xi32> to vector<1xi32>
    %squeeze3A = vector.extract %slice3A[0] : i32 from vector<1xi32>
    %gt3A = arith.constant 0 : i32
    %gt3A_77 = arith.cmpi sgt, %select_n3A, %gt3A : i32
    %jit3A_78 = arith.constant 0 : i32
    %select_n3A_79 = arith.select %gt3A_77, %squeeze3A, %jit3A_78 : i32
    %add3A_80 = arith.constant 0 : i32
    %add3A_81 = arith.addi %add3A_80, %select_n3A_79 : i32
    %get3A_82 = arith.constant 1 : i32
    %get3A_83 = arith.index_cast %get3A_82 : i32 to index
    %get3A_84 = arith.constant 0 : index
    %get3A_85 = tpu.vector_load %arg16[%get3A_83, %get3A_84] {strides = array<i32>} : memref<16x16xi32, #tpu.memory_space<vmem>>, vector<16xi32>,
    %slice3A_86 = vector.extract_strided_slice %get3A_85 {offsets = [0], sizes = [1], strides = [1]} : vector<16xi32> to vector<1xi32>
    %squeeze3A_87 = vector.extract %slice3A_86[0] : i32 from vector<1xi32>
    %gt3A_88 = arith.constant 1 : i32
    %gt3A_89 = arith.cmpi sgt, %select_n3A, %gt3A_88 : i32
    %jit3A_90 = arith.constant 0 : i32
    %select_n3A_91 = arith.select %gt3A_89, %squeeze3A_87, %jit3A_90 : i32
    %add3A_92 = arith.addi %add3A_81, %select_n3A_91 : i32
    %get3A_93 = arith.constant 2 : i32
    %get3A_94 = arith.index_cast %get3A_93 : i32 to index
    %get3A_95 = arith.constant 0 : index
    %get3A_96 = tpu.vector_load %arg16[%get3A_94, %get3A_95] {strides = array<i32>} : memref<16x16xi32, #tpu.memory_space<vmem>>, vector<16xi32>,
    %slice3A_97 = vector.extract_strided_slice %get3A_96 {offsets = [0], sizes = [1], strides = [1]} : vector<16xi32> to vector<1xi32>
    %squeeze3A_98 = vector.extract %slice3A_97[0] : i32 from vector<1xi32>
    %gt3A_99 = arith.constant 2 : i32
    %gt3A_100 = arith.cmpi sgt, %select_n3A, %gt3A_99 : i32
    %jit3A_101 = arith.constant 0 : i32
    %select_n3A_102 = arith.select %gt3A_100, %squeeze3A_98, %jit3A_101 : i32
    %add3A_103 = arith.addi %add3A_92, %select_n3A_102 : i32
    %get3A_104 = arith.constant 3 : i32
    %get3A_105 = arith.index_cast %get3A_104 : i32 to index
    %get3A_106 = arith.constant 0 : index
    %get3A_107 = tpu.vector_load %arg16[%get3A_105, %get3A_106] {strides = array<i32>} : memref<16x16xi32, #tpu.memory_space<vmem>>, vector<16xi32>,
    %slice3A_108 = vector.extract_strided_slice %get3A_107 {offsets = [0], sizes = [1], strides = [1]} : vector<16xi32> to vector<1xi32>
    %squeeze3A_109 = vector.extract %slice3A_108[0] : i32 from vector<1xi32>
    %gt3A_110 = arith.constant 3 : i32
    %gt3A_111 = arith.cmpi sgt, %select_n3A, %gt3A_110 : i32
    %jit3A_112 = arith.constant 0 : i32
    %select_n3A_113 = arith.select %gt3A_111, %squeeze3A_109, %jit3A_112 : i32
    %add3A_114 = arith.addi %add3A_103, %select_n3A_113 : i32
    %get3A_115 = arith.constant 4 : i32
    %get3A_116 = arith.index_cast %get3A_115 : i32 to index
    %get3A_117 = arith.constant 0 : index
    %get3A_118 = tpu.vector_load %arg16[%get3A_116, %get3A_117] {strides = array<i32>} : memref<16x16xi32, #tpu.memory_space<vmem>>, vector<16xi32>,
    %slice3A_119 = vector.extract_strided_slice %get3A_118 {offsets = [0], sizes = [1], strides = [1]} : vector<16xi32> to vector<1xi32>
    %squeeze3A_120 = vector.extract %slice3A_119[0] : i32 from vector<1xi32>
    %gt3A_121 = arith.constant 4 : i32
    %gt3A_122 = arith.cmpi sgt, %select_n3A, %gt3A_121 : i32
    %jit3A_123 = arith.constant 0 : i32
    %select_n3A_124 = arith.select %gt3A_122, %squeeze3A_120, %jit3A_123 : i32
    %add3A_125 = arith.addi %add3A_114, %select_n3A_124 : i32
    %get3A_126 = arith.constant 5 : i32
    %get3A_127 = arith.index_cast %get3A_126 : i32 to index
    %get3A_128 = arith.constant 0 : index
    %get3A_129 = tpu.vector_load %arg16[%get3A_127, %get3A_128] {strides = array<i32>} : memref<16x16xi32, #tpu.memory_space<vmem>>, vector<16xi32>,
    %slice3A_130 = vector.extract_strided_slice %get3A_129 {offsets = [0], sizes = [1], strides = [1]} : vector<16xi32> to vector<1xi32>
    %squeeze3A_131 = vector.extract %slice3A_130[0] : i32 from vector<1xi32>
    %gt3A_132 = arith.constant 5 : i32
    %gt3A_133 = arith.cmpi sgt, %select_n3A, %gt3A_132 : i32
    %jit3A_134 = arith.constant 0 : i32
    %select_n3A_135 = arith.select %gt3A_133, %squeeze3A_131, %jit3A_134 : i32
    %add3A_136 = arith.addi %add3A_125, %select_n3A_135 : i32
    %get3A_137 = arith.constant 6 : i32
    %get3A_138 = arith.index_cast %get3A_137 : i32 to index
    %get3A_139 = arith.constant 0 : index
    %get3A_140 = tpu.vector_load %arg16[%get3A_138, %get3A_139] {strides = array<i32>} : memref<16x16xi32, #tpu.memory_space<vmem>>, vector<16xi32>,
    %slice3A_141 = vector.extract_strided_slice %get3A_140 {offsets = [0], sizes = [1], strides = [1]} : vector<16xi32> to vector<1xi32>
    %squeeze3A_142 = vector.extract %slice3A_141[0] : i32 from vector<1xi32>
    %gt3A_143 = arith.constant 6 : i32
    %gt3A_144 = arith.cmpi sgt, %select_n3A, %gt3A_143 : i32
    %jit3A_145 = arith.constant 0 : i32
    %select_n3A_146 = arith.select %gt3A_144, %squeeze3A_142, %jit3A_145 : i32
    %add3A_147 = arith.addi %add3A_136, %select_n3A_146 : i32
    %get3A_148 = arith.constant 7 : i32
    %get3A_149 = arith.index_cast %get3A_148 : i32 to index
    %get3A_150 = arith.constant 0 : index
    %get3A_151 = tpu.vector_load %arg16[%get3A_149, %get3A_150] {strides = array<i32>} : memref<16x16xi32, #tpu.memory_space<vmem>>, vector<16xi32>,
    %slice3A_152 = vector.extract_strided_slice %get3A_151 {offsets = [0], sizes = [1], strides = [1]} : vector<16xi32> to vector<1xi32>
    %squeeze3A_153 = vector.extract %slice3A_152[0] : i32 from vector<1xi32>
    %gt3A_154 = arith.constant 7 : i32
    %gt3A_155 = arith.cmpi sgt, %select_n3A, %gt3A_154 : i32
    %jit3A_156 = arith.constant 0 : i32
    %select_n3A_157 = arith.select %gt3A_155, %squeeze3A_153, %jit3A_156 : i32
    %add3A_158 = arith.addi %add3A_147, %select_n3A_157 : i32
    %get3A_159 = arith.constant 8 : i32
    %get3A_160 = arith.index_cast %get3A_159 : i32 to index
    %get3A_161 = arith.constant 0 : index
    %get3A_162 = tpu.vector_load %arg16[%get3A_160, %get3A_161] {strides = array<i32>} : memref<16x16xi32, #tpu.memory_space<vmem>>, vector<16xi32>,
    %slice3A_163 = vector.extract_strided_slice %get3A_162 {offsets = [0], sizes = [1], strides = [1]} : vector<16xi32> to vector<1xi32>
    %squeeze3A_164 = vector.extract %slice3A_163[0] : i32 from vector<1xi32>
    %gt3A_165 = arith.constant 8 : i32
    %gt3A_166 = arith.cmpi sgt, %select_n3A, %gt3A_165 : i32
    %jit3A_167 = arith.constant 0 : i32
    %select_n3A_168 = arith.select %gt3A_166, %squeeze3A_164, %jit3A_167 : i32
    %add3A_169 = arith.addi %add3A_158, %select_n3A_168 : i32
    %get3A_170 = arith.constant 9 : i32
    %get3A_171 = arith.index_cast %get3A_170 : i32 to index
    %get3A_172 = arith.constant 0 : index
    %get3A_173 = tpu.vector_load %arg16[%get3A_171, %get3A_172] {strides = array<i32>} : memref<16x16xi32, #tpu.memory_space<vmem>>, vector<16xi32>,
    %slice3A_174 = vector.extract_strided_slice %get3A_173 {offsets = [0], sizes = [1], strides = [1]} : vector<16xi32> to vector<1xi32>
    %squeeze3A_175 = vector.extract %slice3A_174[0] : i32 from vector<1xi32>
    %gt3A_176 = arith.constant 9 : i32
    %gt3A_177 = arith.cmpi sgt, %select_n3A, %gt3A_176 : i32
    %jit3A_178 = arith.constant 0 : i32
    %select_n3A_179 = arith.select %gt3A_177, %squeeze3A_175, %jit3A_178 : i32
    %add3A_180 = arith.addi %add3A_169, %select_n3A_179 : i32
    %get3A_181 = arith.constant 10 : i32
    %get3A_182 = arith.index_cast %get3A_181 : i32 to index
    %get3A_183 = arith.constant 0 : index
    %get3A_184 = tpu.vector_load %arg16[%get3A_182, %get3A_183] {strides = array<i32>} : memref<16x16xi32, #tpu.memory_space<vmem>>, vector<16xi32>,
    %slice3A_185 = vector.extract_strided_slice %get3A_184 {offsets = [0], sizes = [1], strides = [1]} : vector<16xi32> to vector<1xi32>
    %squeeze3A_186 = vector.extract %slice3A_185[0] : i32 from vector<1xi32>
    %gt3A_187 = arith.constant 10 : i32
    %gt3A_188 = arith.cmpi sgt, %select_n3A, %gt3A_187 : i32
    %jit3A_189 = arith.constant 0 : i32
    %select_n3A_190 = arith.select %gt3A_188, %squeeze3A_186, %jit3A_189 : i32
    %add3A_191 = arith.addi %add3A_180, %select_n3A_190 : i32
    %get3A_192 = arith.constant 11 : i32
    %get3A_193 = arith.index_cast %get3A_192 : i32 to index
    %get3A_194 = arith.constant 0 : index
    %get3A_195 = tpu.vector_load %arg16[%get3A_193, %get3A_194] {strides = array<i32>} : memref<16x16xi32, #tpu.memory_space<vmem>>, vector<16xi32>,
    %slice3A_196 = vector.extract_strided_slice %get3A_195 {offsets = [0], sizes = [1], strides = [1]} : vector<16xi32> to vector<1xi32>
    %squeeze3A_197 = vector.extract %slice3A_196[0] : i32 from vector<1xi32>
    %gt3A_198 = arith.constant 11 : i32
    %gt3A_199 = arith.cmpi sgt, %select_n3A, %gt3A_198 : i32
    %jit3A_200 = arith.constant 0 : i32
    %select_n3A_201 = arith.select %gt3A_199, %squeeze3A_197, %jit3A_200 : i32
    %add3A_202 = arith.addi %add3A_191, %select_n3A_201 : i32
    %get3A_203 = arith.constant 12 : i32
    %get3A_204 = arith.index_cast %get3A_203 : i32 to index
    %get3A_205 = arith.constant 0 : index
    %get3A_206 = tpu.vector_load %arg16[%get3A_204, %get3A_205] {strides = array<i32>} : memref<16x16xi32, #tpu.memory_space<vmem>>, vector<16xi32>,
    %slice3A_207 = vector.extract_strided_slice %get3A_206 {offsets = [0], sizes = [1], strides = [1]} : vector<16xi32> to vector<1xi32>
    %squeeze3A_208 = vector.extract %slice3A_207[0] : i32 from vector<1xi32>
    %gt3A_209 = arith.constant 12 : i32
    %gt3A_210 = arith.cmpi sgt, %select_n3A, %gt3A_209 : i32
    %jit3A_211 = arith.constant 0 : i32
    %select_n3A_212 = arith.select %gt3A_210, %squeeze3A_208, %jit3A_211 : i32
    %add3A_213 = arith.addi %add3A_202, %select_n3A_212 : i32
    %get3A_214 = arith.constant 13 : i32
    %get3A_215 = arith.index_cast %get3A_214 : i32 to index
    %get3A_216 = arith.constant 0 : index
    %get3A_217 = tpu.vector_load %arg16[%get3A_215, %get3A_216] {strides = array<i32>} : memref<16x16xi32, #tpu.memory_space<vmem>>, vector<16xi32>,
    %slice3A_218 = vector.extract_strided_slice %get3A_217 {offsets = [0], sizes = [1], strides = [1]} : vector<16xi32> to vector<1xi32>
    %squeeze3A_219 = vector.extract %slice3A_218[0] : i32 from vector<1xi32>
    %gt3A_220 = arith.constant 13 : i32
    %gt3A_221 = arith.cmpi sgt, %select_n3A, %gt3A_220 : i32
    %jit3A_222 = arith.constant 0 : i32
    %select_n3A_223 = arith.select %gt3A_221, %squeeze3A_219, %jit3A_222 : i32
    %add3A_224 = arith.addi %add3A_213, %select_n3A_223 : i32
    %get3A_225 = arith.constant 14 : i32
    %get3A_226 = arith.index_cast %get3A_225 : i32 to index
    %get3A_227 = arith.constant 0 : index
    %get3A_228 = tpu.vector_load %arg16[%get3A_226, %get3A_227] {strides = array<i32>} : memref<16x16xi32, #tpu.memory_space<vmem>>, vector<16xi32>,
    %slice3A_229 = vector.extract_strided_slice %get3A_228 {offsets = [0], sizes = [1], strides = [1]} : vector<16xi32> to vector<1xi32>
    %squeeze3A_230 = vector.extract %slice3A_229[0] : i32 from vector<1xi32>
    %gt3A_231 = arith.constant 14 : i32
    %gt3A_232 = arith.cmpi sgt, %select_n3A, %gt3A_231 : i32
    %jit3A_233 = arith.constant 0 : i32
    %select_n3A_234 = arith.select %gt3A_232, %squeeze3A_230, %jit3A_233 : i32
    %add3A_235 = arith.addi %add3A_224, %select_n3A_234 : i32
    %get3A_236 = arith.constant 15 : i32
    %get3A_237 = arith.index_cast %get3A_236 : i32 to index
    %get3A_238 = arith.constant 0 : index
    %get3A_239 = tpu.vector_load %arg16[%get3A_237, %get3A_238] {strides = array<i32>} : memref<16x16xi32, #tpu.memory_space<vmem>>, vector<16xi32>,
    %slice3A_240 = vector.extract_strided_slice %get3A_239 {offsets = [0], sizes = [1], strides = [1]} : vector<16xi32> to vector<1xi32>
    %squeeze3A_241 = vector.extract %slice3A_240[0] : i32 from vector<1xi32>
    %gt3A_242 = arith.constant 15 : i32
    %gt3A_243 = arith.cmpi sgt, %select_n3A, %gt3A_242 : i32
    %jit3A_244 = arith.constant 0 : i32
    %select_n3A_245 = arith.select %gt3A_243, %squeeze3A_241, %jit3A_244 : i32
    %add3A_246 = arith.addi %add3A_235, %select_n3A_245 : i32
    %sub3A_247 = arith.constant 1 : i32
    %sub3A_248 = arith.subi %add3A_246, %sub3A_247 : i32
    %scan3A_249 = arith.constant 0 : i32
    %scan3A_250 = arith.constant 0 : i32
    %scan3A_251 = arith.constant 50 : i32
    %scan3A_252 = arith.addi %scan3A_250, %scan3A_251 : i32
    %scan3A_253 = arith.constant 1 : i32
    scf.for %scan3A_264 = %scan3A_250 to %scan3A_252 step %scan3A_253  : i32 {
      %mul3A_265 = arith.constant 6400 : i32
      %mul3A_266 = arith.muli %add3A, %mul3A_265 : i32
      %mul3A_267 = arith.constant 128 : i32
      %mul3A_268 = arith.muli %scan3A_264, %mul3A_267 : i32
      %add3A_269 = arith.addi %mul3A_266, %mul3A_268 : i32
      "tpu.region"() ({
        %run_scoped3A_362 = tpu.sem_alloc : memref<!tpu.dma_semaphore, #tpu.memory_space<semaphore_mem>>
        %dma_start3A_363 = tpu.memref_slice %arg2[%add3A_269] : memref<204800xi32, #tpu.memory_space<hbm>> -> memref<128xi32, #tpu.memory_space<hbm>>
        %dma_start3A_364 = tpu.memref_slice %arg2[%add3A_269] : memref<204800xi32, #tpu.memory_space<hbm>> -> memref<128xi32, #tpu.memory_space<hbm>>
        tpu.enqueue_dma source(%dma_start3A_364 : memref<128xi32, #tpu.memory_space<hbm>>) target(%arg18 : memref<128xi32, #tpu.memory_space<vmem>>) target_semaphore(%run_scoped3A_362 : memref<!tpu.dma_semaphore, #tpu.memory_space<semaphore_mem>>)
        %dma_wait3A_365 = tpu.memref_slice %arg2[%add3A_269] : memref<204800xi32, #tpu.memory_space<hbm>> -> memref<128xi32, #tpu.memory_space<hbm>>
        %dma_wait3A_366 = tpu.memref_slice %arg2[%add3A_269] : memref<204800xi32, #tpu.memory_space<hbm>> -> memref<128xi32, #tpu.memory_space<hbm>>
        tpu.wait_dma2 semaphore(%run_scoped3A_362 : memref<!tpu.dma_semaphore, #tpu.memory_space<semaphore_mem>>) src(%dma_wait3A_366 : memref<128xi32, #tpu.memory_space<hbm>>) dst(%arg18 : memref<128xi32, #tpu.memory_space<vmem>>)
        tpu.yield
      }) : () -> ()
      %dma_start3A = arith.constant 0 : i32
      %dma_start3A_270 = arith.constant 0 : i32
      %dma_start3A_271 = tpu.memref_slice %arg5[%dma_start3A, %dma_start3A_270] : memref<100000x64xf32, #tpu.memory_space<hbm>> -> memref<100000x64xf32, #tpu.memory_space<hbm>>
      tpu.enqueue_indirect_dma source(%dma_start3A_271 : memref<100000x64xf32, #tpu.memory_space<hbm>>) target(%arg13 : memref<128x64xf32, #tpu.memory_space<vmem>>) offsets(%arg18 : memref<128xi32, #tpu.memory_space<vmem>>) semaphore(%arg19 : memref<!tpu.dma_semaphore, #tpu.memory_space<semaphore_mem>>)
      %dma_wait3A = arith.constant 0 : i32
      %dma_wait3A_272 = arith.constant 0 : i32
      %dma_wait3A_273 = tpu.memref_slice %arg5[%dma_wait3A, %dma_wait3A_272] : memref<100000x64xf32, #tpu.memory_space<hbm>> -> memref<100000x64xf32, #tpu.memory_space<hbm>>
      tpu.wait_indirect_dma semaphore(%arg19 : memref<!tpu.dma_semaphore, #tpu.memory_space<semaphore_mem>>) src(%dma_wait3A_273 : memref<100000x64xf32, #tpu.memory_space<hbm>>) dst(%arg13 : memref<128x64xf32, #tpu.memory_space<vmem>>)
      "tpu.region"() ({
        %run_scoped3A_362 = tpu.sem_alloc : memref<!tpu.dma_semaphore, #tpu.memory_space<semaphore_mem>>
        %dma_start3A_363 = arith.constant 0 : i32
        %dma_start3A_364 = tpu.memref_slice %arg14[%dma_start3A_363] : memref<144xf32, #tpu.memory_space<vmem>> -> memref<128xf32, #tpu.memory_space<vmem>>
        %dma_start3A_365 = tpu.memref_slice %arg4[%add3A_269] : memref<204800xf32, #tpu.memory_space<hbm>> -> memref<128xf32, #tpu.memory_space<hbm>>
        %dma_start3A_366 = arith.constant 0 : i32
        %dma_start3A_367 = tpu.memref_slice %arg14[%dma_start3A_366] : memref<144xf32, #tpu.memory_space<vmem>> -> memref<128xf32, #tpu.memory_space<vmem>>
        %dma_start3A_368 = tpu.memref_slice %arg4[%add3A_269] : memref<204800xf32, #tpu.memory_space<hbm>> -> memref<128xf32, #tpu.memory_space<hbm>>
        tpu.enqueue_dma source(%dma_start3A_368 : memref<128xf32, #tpu.memory_space<hbm>>) target(%dma_start3A_367 : memref<128xf32, #tpu.memory_space<vmem>>) target_semaphore(%run_scoped3A_362 : memref<!tpu.dma_semaphore, #tpu.memory_space<semaphore_mem>>)
        %dma_wait3A_369 = arith.constant 0 : i32
        %dma_wait3A_370 = tpu.memref_slice %arg14[%dma_wait3A_369] : memref<144xf32, #tpu.memory_space<vmem>> -> memref<128xf32, #tpu.memory_space<vmem>>
        %dma_wait3A_371 = tpu.memref_slice %arg4[%add3A_269] : memref<204800xf32, #tpu.memory_space<hbm>> -> memref<128xf32, #tpu.memory_space<hbm>>
        %dma_wait3A_372 = arith.constant 0 : i32
        %dma_wait3A_373 = tpu.memref_slice %arg14[%dma_wait3A_372] : memref<144xf32, #tpu.memory_space<vmem>> -> memref<128xf32, #tpu.memory_space<vmem>>
        %dma_wait3A_374 = tpu.memref_slice %arg4[%add3A_269] : memref<204800xf32, #tpu.memory_space<hbm>> -> memref<128xf32, #tpu.memory_space<hbm>>
        tpu.wait_dma2 semaphore(%run_scoped3A_362 : memref<!tpu.dma_semaphore, #tpu.memory_space<semaphore_mem>>) src(%dma_wait3A_374 : memref<128xf32, #tpu.memory_space<hbm>>) dst(%dma_wait3A_373 : memref<128xf32, #tpu.memory_space<vmem>>)
        tpu.yield
      }) : () -> ()
      %run_scoped3A_274 = arith.constant 0 : i32
      "tpu.region"() ({
        %run_scoped3A_362 = tpu.sem_alloc : memref<!tpu.dma_semaphore, #tpu.memory_space<semaphore_mem>>
        %dma_start3A_363 = arith.constant 0 : i32
        %dma_start3A_364 = tpu.memref_slice %arg15[%run_scoped3A_274, %dma_start3A_363] : memref<1x128xi32, #tpu.memory_space<vmem>> -> memref<1x128xi32, #tpu.memory_space<vmem>>
        %dma_start3A_365 = tpu.memref_squeeze %dma_start3A_364 : memref<1x128xi32, #tpu.memory_space<vmem>> -> memref<128xi32, #tpu.memory_space<vmem>>
        %dma_start3A_366 = tpu.memref_slice %arg7[%add3A_269] : memref<204800xi32, #tpu.memory_space<vmem_shared>> -> memref<128xi32, #tpu.memory_space<vmem_shared>>
        %dma_start3A_367 = arith.constant 0 : i32
        %dma_start3A_368 = tpu.memref_slice %arg15[%run_scoped3A_274, %dma_start3A_367] : memref<1x128xi32, #tpu.memory_space<vmem>> -> memref<1x128xi32, #tpu.memory_space<vmem>>
        %dma_start3A_369 = tpu.memref_squeeze %dma_start3A_368 : memref<1x128xi32, #tpu.memory_space<vmem>> -> memref<128xi32, #tpu.memory_space<vmem>>
        %dma_start3A_370 = tpu.memref_slice %arg7[%add3A_269] : memref<204800xi32, #tpu.memory_space<vmem_shared>> -> memref<128xi32, #tpu.memory_space<vmem_shared>>
        tpu.enqueue_dma source(%dma_start3A_370 : memref<128xi32, #tpu.memory_space<vmem_shared>>) target(%dma_start3A_369 : memref<128xi32, #tpu.memory_space<vmem>>) target_semaphore(%run_scoped3A_362 : memref<!tpu.dma_semaphore, #tpu.memory_space<semaphore_mem>>)
        %dma_wait3A_371 = arith.constant 0 : i32
        %dma_wait3A_372 = tpu.memref_slice %arg15[%run_scoped3A_274, %dma_wait3A_371] : memref<1x128xi32, #tpu.memory_space<vmem>> -> memref<1x128xi32, #tpu.memory_space<vmem>>
        %dma_wait3A_373 = tpu.memref_squeeze %dma_wait3A_372 : memref<1x128xi32, #tpu.memory_space<vmem>> -> memref<128xi32, #tpu.memory_space<vmem>>
        %dma_wait3A_374 = tpu.memref_slice %arg7[%add3A_269] : memref<204800xi32, #tpu.memory_space<vmem_shared>> -> memref<128xi32, #tpu.memory_space<vmem_shared>>
        %dma_wait3A_375 = arith.constant 0 : i32
        %dma_wait3A_376 = tpu.memref_slice %arg15[%run_scoped3A_274, %dma_wait3A_375] : memref<1x128xi32, #tpu.memory_space<vmem>> -> memref<1x128xi32, #tpu.memory_space<vmem>>
        %dma_wait3A_377 = tpu.memref_squeeze %dma_wait3A_376 : memref<1x128xi32, #tpu.memory_space<vmem>> -> memref<128xi32, #tpu.memory_space<vmem>>
        %dma_wait3A_378 = tpu.memref_slice %arg7[%add3A_269] : memref<204800xi32, #tpu.memory_space<vmem_shared>> -> memref<128xi32, #tpu.memory_space<vmem_shared>>
        tpu.wait_dma2 semaphore(%run_scoped3A_362 : memref<!tpu.dma_semaphore, #tpu.memory_space<semaphore_mem>>) src(%dma_wait3A_378 : memref<128xi32, #tpu.memory_space<vmem_shared>>) dst(%dma_wait3A_377 : memref<128xi32, #tpu.memory_space<vmem>>)
        tpu.yield
      }) : () -> ()
      %get3A_275 = arith.constant 0 : i32
      %get3A_276 = arith.index_cast %get3A_275 : i32 to index
      %get3A_277 = arith.constant 0 : index
      %get3A_278 = tpu.vector_load %arg15[%get3A_276, %get3A_277] {strides = array<i32>} : memref<1x128xi32, #tpu.memory_space<vmem>>, vector<16xi32>,
      %add3A_279 = vector.broadcast %sub3A_248 : i32 to vector<16xi32>
      %add3A_280 = arith.addi %get3A_278, %add3A_279 : vector<16xi32>
      %swap3A_281 = arith.constant 0 : i32
      %swap3A_282 = arith.index_cast %swap3A_281 : i32 to index
      %swap3A_283 = arith.constant 0 : index
      %swap3A_284 = tpu.vector_load %arg15[%swap3A_282, %swap3A_283] {strides = array<i32>} : memref<1x128xi32, #tpu.memory_space<vmem>>, vector<16xi32>,
      tpu.vector_store %arg15[%swap3A_282, %swap3A_283], %add3A_280 {strides = array<i32>} : memref<1x128xi32, #tpu.memory_space<vmem>>, vector<16xi32>,
      %get3A_285 = arith.constant 0 : i32
      %get3A_286 = arith.index_cast %get3A_285 : i32 to index
      %get3A_287 = arith.constant 16 : index
      %get3A_288 = tpu.vector_load %arg15[%get3A_286, %get3A_287] {strides = array<i32>} : memref<1x128xi32, #tpu.memory_space<vmem>>, vector<16xi32>,
      %add3A_289 = vector.broadcast %sub3A_248 : i32 to vector<16xi32>
      %add3A_290 = arith.addi %get3A_288, %add3A_289 : vector<16xi32>
      %swap3A_291 = arith.constant 0 : i32
      %swap3A_292 = arith.index_cast %swap3A_291 : i32 to index
      %swap3A_293 = arith.constant 16 : index
      %swap3A_294 = tpu.vector_load %arg15[%swap3A_292, %swap3A_293] {strides = array<i32>} : memref<1x128xi32, #tpu.memory_space<vmem>>, vector<16xi32>,
      tpu.vector_store %arg15[%swap3A_292, %swap3A_293], %add3A_290 {strides = array<i32>} : memref<1x128xi32, #tpu.memory_space<vmem>>, vector<16xi32>,
      %get3A_295 = arith.constant 0 : i32
      %get3A_296 = arith.index_cast %get3A_295 : i32 to index
      %get3A_297 = arith.constant 32 : index
      %get3A_298 = tpu.vector_load %arg15[%get3A_296, %get3A_297] {strides = array<i32>} : memref<1x128xi32, #tpu.memory_space<vmem>>, vector<16xi32>,
      %add3A_299 = vector.broadcast %sub3A_248 : i32 to vector<16xi32>
      %add3A_300 = arith.addi %get3A_298, %add3A_299 : vector<16xi32>
      %swap3A_301 = arith.constant 0 : i32
      %swap3A_302 = arith.index_cast %swap3A_301 : i32 to index
      %swap3A_303 = arith.constant 32 : index
      %swap3A_304 = tpu.vector_load %arg15[%swap3A_302, %swap3A_303] {strides = array<i32>} : memref<1x128xi32, #tpu.memory_space<vmem>>, vector<16xi32>,
      tpu.vector_store %arg15[%swap3A_302, %swap3A_303], %add3A_300 {strides = array<i32>} : memref<1x128xi32, #tpu.memory_space<vmem>>, vector<16xi32>,
      %get3A_305 = arith.constant 0 : i32
      %get3A_306 = arith.index_cast %get3A_305 : i32 to index
      %get3A_307 = arith.constant 48 : index
      %get3A_308 = tpu.vector_load %arg15[%get3A_306, %get3A_307] {strides = array<i32>} : memref<1x128xi32, #tpu.memory_space<vmem>>, vector<16xi32>,
      %add3A_309 = vector.broadcast %sub3A_248 : i32 to vector<16xi32>
      %add3A_310 = arith.addi %get3A_308, %add3A_309 : vector<16xi32>
      %swap3A_311 = arith.constant 0 : i32
      %swap3A_312 = arith.index_cast %swap3A_311 : i32 to index
      %swap3A_313 = arith.constant 48 : index
      %swap3A_314 = tpu.vector_load %arg15[%swap3A_312, %swap3A_313] {strides = array<i32>} : memref<1x128xi32, #tpu.memory_space<vmem>>, vector<16xi32>,
      tpu.vector_store %arg15[%swap3A_312, %swap3A_313], %add3A_310 {strides = array<i32>} : memref<1x128xi32, #tpu.memory_space<vmem>>, vector<16xi32>,
      %get3A_315 = arith.constant 0 : i32
      %get3A_316 = arith.index_cast %get3A_315 : i32 to index
      %get3A_317 = arith.constant 64 : index
      %get3A_318 = tpu.vector_load %arg15[%get3A_316, %get3A_317] {strides = array<i32>} : memref<1x128xi32, #tpu.memory_space<vmem>>, vector<16xi32>,
      %add3A_319 = vector.broadcast %sub3A_248 : i32 to vector<16xi32>
      %add3A_320 = arith.addi %get3A_318, %add3A_319 : vector<16xi32>
      %swap3A_321 = arith.constant 0 : i32
      %swap3A_322 = arith.index_cast %swap3A_321 : i32 to index
      %swap3A_323 = arith.constant 64 : index
      %swap3A_324 = tpu.vector_load %arg15[%swap3A_322, %swap3A_323] {strides = array<i32>} : memref<1x128xi32, #tpu.memory_space<vmem>>, vector<16xi32>,
      tpu.vector_store %arg15[%swap3A_322, %swap3A_323], %add3A_320 {strides = array<i32>} : memref<1x128xi32, #tpu.memory_space<vmem>>, vector<16xi32>,
      %get3A_325 = arith.constant 0 : i32
      %get3A_326 = arith.index_cast %get3A_325 : i32 to index
      %get3A_327 = arith.constant 80 : index
      %get3A_328 = tpu.vector_load %arg15[%get3A_326, %get3A_327] {strides = array<i32>} : memref<1x128xi32, #tpu.memory_space<vmem>>, vector<16xi32>,
      %add3A_329 = vector.broadcast %sub3A_248 : i32 to vector<16xi32>
      %add3A_330 = arith.addi %get3A_328, %add3A_329 : vector<16xi32>
      %swap3A_331 = arith.constant 0 : i32
      %swap3A_332 = arith.index_cast %swap3A_331 : i32 to index
      %swap3A_333 = arith.constant 80 : index
      %swap3A_334 = tpu.vector_load %arg15[%swap3A_332, %swap3A_333] {strides = array<i32>} : memref<1x128xi32, #tpu.memory_space<vmem>>, vector<16xi32>,
      tpu.vector_store %arg15[%swap3A_332, %swap3A_333], %add3A_330 {strides = array<i32>} : memref<1x128xi32, #tpu.memory_space<vmem>>, vector<16xi32>,
      %get3A_335 = arith.constant 0 : i32
      %get3A_336 = arith.index_cast %get3A_335 : i32 to index
      %get3A_337 = arith.constant 96 : index
      %get3A_338 = tpu.vector_load %arg15[%get3A_336, %get3A_337] {strides = array<i32>} : memref<1x128xi32, #tpu.memory_space<vmem>>, vector<16xi32>,
      %add3A_339 = vector.broadcast %sub3A_248 : i32 to vector<16xi32>
      %add3A_340 = arith.addi %get3A_338, %add3A_339 : vector<16xi32>
      %swap3A_341 = arith.constant 0 : i32
      %swap3A_342 = arith.index_cast %swap3A_341 : i32 to index
      %swap3A_343 = arith.constant 96 : index
      %swap3A_344 = tpu.vector_load %arg15[%swap3A_342, %swap3A_343] {strides = array<i32>} : memref<1x128xi32, #tpu.memory_space<vmem>>, vector<16xi32>,
      tpu.vector_store %arg15[%swap3A_342, %swap3A_343], %add3A_340 {strides = array<i32>} : memref<1x128xi32, #tpu.memory_space<vmem>>, vector<16xi32>,
      %get3A_345 = arith.constant 0 : i32
      %get3A_346 = arith.index_cast %get3A_345 : i32 to index
      %get3A_347 = arith.constant 112 : index
      %get3A_348 = tpu.vector_load %arg15[%get3A_346, %get3A_347] {strides = array<i32>} : memref<1x128xi32, #tpu.memory_space<vmem>>, vector<16xi32>,
      %add3A_349 = vector.broadcast %sub3A_248 : i32 to vector<16xi32>
      %add3A_350 = arith.addi %get3A_348, %add3A_349 : vector<16xi32>
      %swap3A_351 = arith.constant 0 : i32
      %swap3A_352 = arith.index_cast %swap3A_351 : i32 to index
      %swap3A_353 = arith.constant 112 : index
      %swap3A_354 = tpu.vector_load %arg15[%swap3A_352, %swap3A_353] {strides = array<i32>} : memref<1x128xi32, #tpu.memory_space<vmem>>, vector<16xi32>,
      tpu.vector_store %arg15[%swap3A_352, %swap3A_353], %add3A_350 {strides = array<i32>} : memref<1x128xi32, #tpu.memory_space<vmem>>, vector<16xi32>,
      %scan3A_355 = arith.constant 0 : i32
      %scan3A_356 = arith.constant 0 : i32
      %scan3A_357 = arith.constant 128 : i32
      %scan3A_358 = arith.addi %scan3A_356, %scan3A_357 : i32
      %scan3A_359 = arith.constant 1 : i32
      scf.for %scan3A_362 = %scan3A_356 to %scan3A_358 step %scan3A_359  : i32 {
        %get3A_363 = arith.index_cast %scan3A_362 : i32 to index
        %get3A_364 = tpu.vector_load %arg14[%get3A_363] {strides = array<i32>} : memref<144xf32, #tpu.memory_space<vmem>>, vector<16xf32>,
        %slice3A_365 = vector.extract_strided_slice %get3A_364 {offsets = [0], sizes = [1], strides = [1]} : vector<16xf32> to vector<1xf32>
        %squeeze3A_366 = vector.extract %slice3A_365[0] : f32 from vector<1xf32>
        %get3A_367 = arith.index_cast %scan3A_362 : i32 to index
        %get3A_368 = arith.constant 0 : index
        %get3A_369 = tpu.vector_load %arg13[%get3A_367, %get3A_368] {strides = array<i32>} : memref<128x64xf32, #tpu.memory_space<vmem>>, vector<16xf32>,
        %mul3A_370 = vector.broadcast %squeeze3A_366 : f32 to vector<16xf32>
        %mul3A_371 = arith.mulf %get3A_369, %mul3A_370 : vector<16xf32>
        %swap3A_372 = arith.index_cast %scan3A_362 : i32 to index
        %swap3A_373 = arith.constant 0 : index
        %swap3A_374 = tpu.vector_load %arg13[%swap3A_372, %swap3A_373] {strides = array<i32>} : memref<128x64xf32, #tpu.memory_space<vmem>>, vector<16xf32>,
        tpu.vector_store %arg13[%swap3A_372, %swap3A_373], %mul3A_371 {strides = array<i32>} : memref<128x64xf32, #tpu.memory_space<vmem>>, vector<16xf32>,
        %get3A_375 = arith.index_cast %scan3A_362 : i32 to index
        %get3A_376 = arith.constant 16 : index
        %get3A_377 = tpu.vector_load %arg13[%get3A_375, %get3A_376] {strides = array<i32>} : memref<128x64xf32, #tpu.memory_space<vmem>>, vector<16xf32>,
        %mul3A_378 = vector.broadcast %squeeze3A_366 : f32 to vector<16xf32>
        %mul3A_379 = arith.mulf %get3A_377, %mul3A_378 : vector<16xf32>
        %swap3A_380 = arith.index_cast %scan3A_362 : i32 to index
        %swap3A_381 = arith.constant 16 : index
        %swap3A_382 = tpu.vector_load %arg13[%swap3A_380, %swap3A_381] {strides = array<i32>} : memref<128x64xf32, #tpu.memory_space<vmem>>, vector<16xf32>,
        tpu.vector_store %arg13[%swap3A_380, %swap3A_381], %mul3A_379 {strides = array<i32>} : memref<128x64xf32, #tpu.memory_space<vmem>>, vector<16xf32>,
        %get3A_383 = arith.index_cast %scan3A_362 : i32 to index
        %get3A_384 = arith.constant 32 : index
        %get3A_385 = tpu.vector_load %arg13[%get3A_383, %get3A_384] {strides = array<i32>} : memref<128x64xf32, #tpu.memory_space<vmem>>, vector<16xf32>,
        %mul3A_386 = vector.broadcast %squeeze3A_366 : f32 to vector<16xf32>
        %mul3A_387 = arith.mulf %get3A_385, %mul3A_386 : vector<16xf32>
        %swap3A_388 = arith.index_cast %scan3A_362 : i32 to index
        %swap3A_389 = arith.constant 32 : index
        %swap3A_390 = tpu.vector_load %arg13[%swap3A_388, %swap3A_389] {strides = array<i32>} : memref<128x64xf32, #tpu.memory_space<vmem>>, vector<16xf32>,
        tpu.vector_store %arg13[%swap3A_388, %swap3A_389], %mul3A_387 {strides = array<i32>} : memref<128x64xf32, #tpu.memory_space<vmem>>, vector<16xf32>,
        %get3A_391 = arith.index_cast %scan3A_362 : i32 to index
        %get3A_392 = arith.constant 48 : index
        %get3A_393 = tpu.vector_load %arg13[%get3A_391, %get3A_392] {strides = array<i32>} : memref<128x64xf32, #tpu.memory_space<vmem>>, vector<16xf32>,
        %mul3A_394 = vector.broadcast %squeeze3A_366 : f32 to vector<16xf32>
        %mul3A_395 = arith.mulf %get3A_393, %mul3A_394 : vector<16xf32>
        %swap3A_396 = arith.index_cast %scan3A_362 : i32 to index
        %swap3A_397 = arith.constant 48 : index
        %swap3A_398 = tpu.vector_load %arg13[%swap3A_396, %swap3A_397] {strides = array<i32>} : memref<128x64xf32, #tpu.memory_space<vmem>>, vector<16xf32>,
        tpu.vector_store %arg13[%swap3A_396, %swap3A_397], %mul3A_395 {strides = array<i32>} : memref<128x64xf32, #tpu.memory_space<vmem>>, vector<16xf32>,
      }
      %scan3A_360 = arith.constant 128 : i32
      %run_scoped3A_361 = arith.constant 0 : i32
      "tpu.region"() ({
        %run_scoped3A_362 = tpu.sem_alloc : memref<!tpu.dma_semaphore, #tpu.memory_space<semaphore_mem>>
        %dma_start3A_363 = arith.constant 0 : i32
        %dma_start3A_364 = tpu.memref_slice %arg15[%run_scoped3A_361, %dma_start3A_363] : memref<1x128xi32, #tpu.memory_space<vmem>> -> memref<1x128xi32, #tpu.memory_space<vmem>>
        %dma_start3A_365 = tpu.memref_squeeze %dma_start3A_364 : memref<1x128xi32, #tpu.memory_space<vmem>> -> memref<128xi32, #tpu.memory_space<vmem>>
        %dma_start3A_366 = arith.constant 0 : i32
        %dma_start3A_367 = arith.constant 0 : i32
        %dma_start3A_368 = tpu.memref_slice %arg9[%dma_start3A_366, %dma_start3A_367] : memref<4096x64xf32, #tpu.memory_space<vmem_shared>> -> memref<4096x64xf32, #tpu.memory_space<vmem_shared>>
        tpu.enqueue_indirect_dma source(%arg13 : memref<128x64xf32, #tpu.memory_space<vmem>>) target(%dma_start3A_368 : memref<4096x64xf32, #tpu.memory_space<vmem_shared>>) offsets(%dma_start3A_365 : memref<128xi32, #tpu.memory_space<vmem>>) semaphore(%run_scoped3A_362 : memref<!tpu.dma_semaphore, #tpu.memory_space<semaphore_mem>>) {add = true}
        %dma_wait3A_369 = arith.constant 0 : i32
        %dma_wait3A_370 = tpu.memref_slice %arg15[%run_scoped3A_361, %dma_wait3A_369] : memref<1x128xi32, #tpu.memory_space<vmem>> -> memref<1x128xi32, #tpu.memory_space<vmem>>
        %dma_wait3A_371 = tpu.memref_squeeze %dma_wait3A_370 : memref<1x128xi32, #tpu.memory_space<vmem>> -> memref<128xi32, #tpu.memory_space<vmem>>
        %dma_wait3A_372 = arith.constant 0 : i32
        %dma_wait3A_373 = arith.constant 0 : i32
        %dma_wait3A_374 = tpu.memref_slice %arg9[%dma_wait3A_372, %dma_wait3A_373] : memref<4096x64xf32, #tpu.memory_space<vmem_shared>> -> memref<4096x64xf32, #tpu.memory_space<vmem_shared>>
        tpu.wait_indirect_dma semaphore(%run_scoped3A_362 : memref<!tpu.dma_semaphore, #tpu.memory_space<semaphore_mem>>) src(%arg13 : memref<128x64xf32, #tpu.memory_space<vmem>>) dst(%dma_wait3A_374 : memref<4096x64xf32, #tpu.memory_space<vmem_shared>>)
        tpu.yield
      }) : () -> ()
    }
    %scan3A_254 = arith.constant 50 : i32
    %barrier3A_255 = arith.constant 0 : index
    tpu.barrier barrier_id(%barrier3A_255)
    %mul3A_256 = arith.constant 256 : i32
    %mul3A_257 = arith.muli %arg1, %mul3A_256 : i32
    %add3A_258 = arith.constant 0 : i32
    %add3A_259 = arith.addi %mul3A_257, %add3A_258 : i32
    "tpu.region"() ({
      %run_scoped3A_264 = tpu.sem_alloc : memref<!tpu.dma_semaphore, #tpu.memory_space<semaphore_mem>>
      %dma_start3A = arith.constant 0 : i32
      %dma_start3A_265 = tpu.memref_slice %arg6[%arg0, %add3A_259, %dma_start3A] : memref<2x4096x64xf32, #tpu.memory_space<hbm>> -> memref<1x128x64xf32, #tpu.memory_space<hbm>>
      %dma_start3A_266 = tpu.memref_squeeze %dma_start3A_265 : memref<1x128x64xf32, #tpu.memory_space<hbm>> -> memref<128x64xf32, #tpu.memory_space<hbm>>
      %dma_start3A_267 = arith.constant 0 : i32
      %dma_start3A_268 = tpu.memref_slice %arg9[%add3A_259, %dma_start3A_267] : memref<4096x64xf32, #tpu.memory_space<vmem_shared>> -> memref<128x64xf32, #tpu.memory_space<vmem_shared>>
      tpu.enqueue_dma source(%dma_start3A_268 : memref<128x64xf32, #tpu.memory_space<vmem_shared>>) target(%dma_start3A_266 : memref<128x64xf32, #tpu.memory_space<hbm>>) target_semaphore(%run_scoped3A_264 : memref<!tpu.dma_semaphore, #tpu.memory_space<semaphore_mem>>)
      %dma_wait3A = arith.constant 0 : i32
      %dma_wait3A_269 = tpu.memref_slice %arg6[%arg0, %add3A_259, %dma_wait3A] : memref<2x4096x64xf32, #tpu.memory_space<hbm>> -> memref<1x128x64xf32, #tpu.memory_space<hbm>>
      %dma_wait3A_270 = tpu.memref_squeeze %dma_wait3A_269 : memref<1x128x64xf32, #tpu.memory_space<hbm>> -> memref<128x64xf32, #tpu.memory_space<hbm>>
      %dma_wait3A_271 = arith.constant 0 : i32
      %dma_wait3A_272 = tpu.memref_slice %arg9[%add3A_259, %dma_wait3A_271] : memref<4096x64xf32, #tpu.memory_space<vmem_shared>> -> memref<128x64xf32, #tpu.memory_space<vmem_shared>>
      tpu.wait_dma2 semaphore(%run_scoped3A_264 : memref<!tpu.dma_semaphore, #tpu.memory_space<semaphore_mem>>) src(%dma_wait3A_272 : memref<128x64xf32, #tpu.memory_space<vmem_shared>>) dst(%dma_wait3A_270 : memref<128x64xf32, #tpu.memory_space<hbm>>)
      tpu.yield
    }) : () -> ()
    %mul3A_260 = arith.constant 256 : i32
    %mul3A_261 = arith.muli %arg1, %mul3A_260 : i32
    %add3A_262 = arith.constant 128 : i32
    %add3A_263 = arith.addi %mul3A_261, %add3A_262 : i32
    "tpu.region"() ({
      %run_scoped3A_264 = tpu.sem_alloc : memref<!tpu.dma_semaphore, #tpu.memory_space<semaphore_mem>>
      %dma_start3A = arith.constant 0 : i32
      %dma_start3A_265 = tpu.memref_slice %arg6[%arg0, %add3A_263, %dma_start3A] : memref<2x4096x64xf32, #tpu.memory_space<hbm>> -> memref<1x128x64xf32, #tpu.memory_space<hbm>>
      %dma_start3A_266 = tpu.memref_squeeze %dma_start3A_265 : memref<1x128x64xf32, #tpu.memory_space<hbm>> -> memref<128x64xf32, #tpu.memory_space<hbm>>
      %dma_start3A_267 = arith.constant 0 : i32
      %dma_start3A_268 = tpu.memref_slice %arg9[%add3A_263, %dma_start3A_267] : memref<4096x64xf32, #tpu.memory_space<vmem_shared>> -> memref<128x64xf32, #tpu.memory_space<vmem_shared>>
      tpu.enqueue_dma source(%dma_start3A_268 : memref<128x64xf32, #tpu.memory_space<vmem_shared>>) target(%dma_start3A_266 : memref<128x64xf32, #tpu.memory_space<hbm>>) target_semaphore(%run_scoped3A_264 : memref<!tpu.dma_semaphore, #tpu.memory_space<semaphore_mem>>)
      %dma_wait3A = arith.constant 0 : i32
      %dma_wait3A_269 = tpu.memref_slice %arg6[%arg0, %add3A_263, %dma_wait3A] : memref<2x4096x64xf32, #tpu.memory_space<hbm>> -> memref<1x128x64xf32, #tpu.memory_space<hbm>>
      %dma_wait3A_270 = tpu.memref_squeeze %dma_wait3A_269 : memref<1x128x64xf32, #tpu.memory_space<hbm>> -> memref<128x64xf32, #tpu.memory_space<hbm>>
      %dma_wait3A_271 = arith.constant 0 : i32
      %dma_wait3A_272 = tpu.memref_slice %arg9[%add3A_263, %dma_wait3A_271] : memref<4096x64xf32, #tpu.memory_space<vmem_shared>> -> memref<128x64xf32, #tpu.memory_space<vmem_shared>>
      tpu.wait_dma2 semaphore(%run_scoped3A_264 : memref<!tpu.dma_semaphore, #tpu.memory_space<semaphore_mem>>) src(%dma_wait3A_272 : memref<128x64xf32, #tpu.memory_space<vmem_shared>>) dst(%dma_wait3A_270 : memref<128x64xf32, #tpu.memory_space<hbm>>)
      tpu.yield
    }) : () -> ()
    return
  }
}

module attributes {stable_mosaic.version = 14 : i64} {
  func.func @_combine_body(%arg0: memref<2x4096x64xf32, #tpu.memory_space<vmem>>, %arg1: memref<4096x64xf32, #tpu.memory_space<vmem>>) attributes {dimension_semantics = [], scalar_prefetch = 0 : i64, scratch_operands = 0 : i64, tpu.core_type = #tpu.core_type<tc>} {
    %get3A = arith.constant 0 : index
    %get3A_0 = arith.constant 0 : index
    %get3A_1 = arith.constant 0 : index
    %get3A_2 = vector.load %arg0[%get3A, %get3A_0, %get3A_1] : memref<2x4096x64xf32, #tpu.memory_space<vmem>>, vector<1x4096x64xf32>
    %get3A_3 = vector.shape_cast %get3A_2 : vector<1x4096x64xf32> to vector<4096x64xf32>
    %get3A_4 = arith.constant 1 : index
    %get3A_5 = arith.constant 0 : index
    %get3A_6 = arith.constant 0 : index
    %get3A_7 = vector.load %arg0[%get3A_4, %get3A_5, %get3A_6] : memref<2x4096x64xf32, #tpu.memory_space<vmem>>, vector<1x4096x64xf32>
    %get3A_8 = vector.shape_cast %get3A_7 : vector<1x4096x64xf32> to vector<4096x64xf32>
    %add3A = arith.addf %get3A_3, %get3A_8 : vector<4096x64xf32>
    %swap3A = arith.constant 0 : index
    %swap3A_9 = arith.constant 0 : index
    %swap3A_10 = vector.load %arg1[%swap3A, %swap3A_9] : memref<4096x64xf32, #tpu.memory_space<vmem>>, vector<4096x64xf32>
    tpu.vector_store %arg1[%swap3A, %swap3A_9], %add3A {strides = array<i32>} : memref<4096x64xf32, #tpu.memory_space<vmem>>, vector<4096x64xf32>,
    return
  }
}

</mosaic_0001>

<sc_bundles>
// kernel: kernel.4.cloned.1.call-start
scs
__scs_entry_jumppad:
0x0: {  	(pc) =	sbr.rel $0x88, $3  }
0x1: {  	(tag) =	ssettag $0x0;
	lr =	simm.s32 $0x1  }
0x2: {  	[smem:$0x3F9D] =	sst lr;
	_ =	strace $0xD0000000  }
0x3: {  	_ = 	snop  }
0x4: {  	_ = 	snop  }
0x5: {  	_ = 	snop  }
0x6: {  	_ = 	snop  }
0x7: {  	_ = 	snop  }
__scs_overlays_trampoline_lowered:
0x8: {  	[smem:$0x3FAC] =	sst s0  }
0x9: {  	[smem:$0x3FAD] =	sst s1  }
0xa: {  	[smem:$0x3FAE] =	sst s2  }
0xb: {  	[smem:$0x3FAF] =	sst s3  }
0xc: {  	[smem:$0x3FB0] =	sst s4  }
0xd: {  	[smem:$0x3FB1] =	sst s5  }
0xe: {  	[smem:$0x3FB2] =	sst s6  }
0xf: {  	[smem:$0x3FB3] =	sst s7  }
0x10: {  	[smem:$0x3FB4] =	sst s8  }
0x11: {  	[smem:$0x3FB5] =	sst s9;
	s0 =	simm.s32 @!p0 $0x0  }
0x12: {  	s1 =	sld [smem:$0x3F9B];
	s0 =	simm.s32 @p0 $0x1  }
0x13: {  	[smem:$0x3FB6] =	sst s0;
	s0 =	simm.s32 @!p1 $0x0  }
0x14: {  	s2 =	sld [smem:$0x3F9A];
	s0 =	simm.s32 @p1 $0x1  }
0x15: {  	[smem:$0x3FB7] =	sst s0;
	s0 =	simm.s32 @!p2 $0x0  }
0x16: {  	s3 =	sld [smem:$0x3FDB];
	s0 =	simm.s32 @p2 $0x1  }
0x17: {  	s4 =	simm.s32 $0x1BF5;
	[smem:$0x3FB9] =	sst s0  }
0x18: {  	s0 =	sld [smem:$0x3F9C];
	_ =	swait.ge [sflag:s4], $0x0  }
0x19: {  	s7 =	sld [smem:$0x3F9D]  }
0x1a: {  	s8 =	sadd.s32 $0xFFFFE003, lr  }
0x1b: {  	s9 =	sadd.s32 $0xFFFFFEF7, lr;
	s5 =	simm.s32 $0xFFFFFFFF;
	p2 =	slt.u32 s8, $0xFFFFF086  }
0x1c: {  	p1 =	slt.u32 s9, $0xF7A;
	s5 =	simm.s32 @!p2 $0x0  }
0x1d: {  	s5 =	simm.s32 @p1 $0x1;
	p0 =	seq.s32 s7, s2  }
0x1e: {  	s7 =	smul.u32 @!p0 $0xF7A, s2;
	p2 =	seq.s32 @!p0 s5, $0x0  }
0x1f: {  	s9 =	smul.u32 $0xF7A, s1;
	s8 =	simm.s32 @!p0 $0x1BF5;
	p2 =	por !p2, p0  }
0x20: {  	[sflag:s8] =	ssyncset.s32 @!p0 $0xFFFFF086;
	s6 =	sadd.s32 @!p0 s3, s7;
	s7 =	simm.s32 @!p0 $0x108  }
0x21: {  	s3 =	sadd.s32 s3, s9;
	s6 =	sadd.s32 @!p0 $0x88, s6;
	s7 =	simm.s32 @p2 $0x1082  }
0x22: {  	[simem:s7], [sflag:s8] =	dma.local @!p0 [hbm:s6], $0xF7A  }
0x23: {  	s9 =	sor.u32 $0xD0000000, s2;
	s6 =	simm.s32 $0x108;
	_ =	swait.ge @!p0 [sflag:s8], $0x0  }
0x24: {  	s3 =	sadd.s32 $0x88, s3;
	s6 =	simm.s32 @!p1 $0x1082;
	[sflag:s4] =	ssyncset.s32 $0xFFFFF086  }
0x25: {  	[simem:s6], [sflag:s4] =	dma.local [hbm:s3], $0xF7A  }
0x26: {  	[smem:$0x3F9D] =	sst s1;
	(tag) =	ssettag s2;
	_ =	strace s9  }
0x27: {  	s1 =	sld [smem:$0x3FAD]  }
0x28: {  	s2 =	sld [smem:$0x3FAE]  }
0x29: {  	s4 =	sld [smem:$0x3FB0]  }
0x2a: {  	p0 =	seq.s32 s5, $0x0;
	s5 =	sld [smem:$0x3FB1]  }
0x2b: {  	s6 =	sld [smem:$0x3FB2]  }
0x2c: {  	s7 =	sld [smem:$0x3FB3]  }
0x2d: {  	s3 =	simm.s32 $0x108;
	s8 =	sld [smem:$0x3FB4]  }
0x2e: {  	s3 =	simm.s32 @!p0 $0x1082;
	s9 =	sld [smem:$0x3FB5]  }
0x2f: {  	lr =	sadd.s32 s0, s3;
	s0 =	sld [smem:$0x3FAC]  }
0x30: {  	s3 =	sld [smem:$0x3FAF]  }
0x31: {  	[smem:$0x3FB8] =	sst s10  }
0x32: {  	s10 =	sld [smem:$0x3FB6];
	_ =	sdelay $0x3  }
0x33: {  	p0 =	seq.s32 s10, $0x1;
	s10 =	sld [smem:$0x3FB8];
	_ =	sdelay $0x3  }
0x34: {  	[smem:$0x3FB8] =	sst s10  }
0x35: {  	s10 =	sld [smem:$0x3FB7];
	_ =	sdelay $0x3  }
0x36: {  	p1 =	seq.s32 s10, $0x1;
	s10 =	sld [smem:$0x3FB8];
	_ =	sdelay $0x3  }
0x37: {  	[smem:$0x3FB8] =	sst s10  }
0x38: {  	s10 =	sld [smem:$0x3FB9]  }
0x39: {  	_ = 	snop;
	(pc) =	sbr.ind lr, $3  }
0x3a: {  	_ = 	snop  }
0x3b: {  	_ = 	snop  }
0x3c: {  	p2 =	seq.s32 s10, $0x1;
	s10 =	sld [smem:$0x3FB8]  }
0x3d: {  	_ =	shalt  }
0x3e: {  	_ =	shalt  }
0x3f: {  	_ =	shalt  }
0x40: {  	_ =	shalt  }
0x41: {  	_ =	shalt  }
0x42: {  	_ =	shalt  }
0x43: {  	_ =	shalt  }
0x44: {  	_ =	shalt  }
0x45: {  	_ =	shalt  }
0x46: {  	_ =	shalt  }
0x47: {  	_ =	shalt  }
0x48: {  	_ =	shalt  }
0x49: {  	_ =	shalt  }
0x4a: {  	_ =	shalt  }
0x4b: {  	_ =	shalt  }
0x4c: {  	_ =	shalt  }
0x4d: {  	_ =	shalt  }
0x4e: {  	_ =	shalt  }
0x4f: {  	_ =	shalt  }
0x50: {  	_ =	shalt  }
0x51: {  	_ =	shalt  }
0x52: {  	_ =	shalt  }
0x53: {  	_ =	shalt  }
0x54: {  	_ =	shalt  }
0x55: {  	_ =	shalt  }
0x56: {  	_ =	shalt  }
0x57: {  	_ =	shalt  }
0x58: {  	_ =	shalt  }
0x59: {  	_ =	shalt  }
0x5a: {  	_ =	shalt  }
0x5b: {  	_ =	shalt  }
0x5c: {  	_ =	shalt  }
0x5d: {  	_ =	shalt  }
0x5e: {  	_ =	shalt  }
0x5f: {  	_ =	shalt  }
0x60: {  	_ =	shalt  }
0x61: {  	_ =	shalt  }
0x62: {  	_ =	shalt  }
0x63: {  	_ =	shalt  }
0x64: {  	_ =	shalt  }
0x65: {  	_ =	shalt  }
0x66: {  	_ =	shalt  }
0x67: {  	_ =	shalt  }
0x68: {  	_ =	shalt  }
0x69: {  	_ =	shalt  }
0x6a: {  	_ =	shalt  }
0x6b: {  	_ =	shalt  }
0x6c: {  	_ =	shalt  }
0x6d: {  	_ =	shalt  }
0x6e: {  	_ =	shalt  }
0x6f: {  	_ =	shalt  }
0x70: {  	_ =	shalt  }
0x71: {  	_ =	shalt  }
0x72: {  	_ =	shalt  }
0x73: {  	_ =	shalt  }
0x74: {  	_ =	shalt  }
0x75: {  	_ =	shalt  }
0x76: {  	_ =	shalt  }
0x77: {  	_ =	shalt  }
0x78: {  	_ =	shalt  }
0x79: {  	_ =	shalt  }
0x7a: {  	_ =	shalt  }
0x7b: {  	_ =	shalt  }
0x7c: {  	_ =	shalt  }
0x7d: {  	_ =	shalt  }
0x7e: {  	_ =	shalt  }
0x7f: {  	_ =	shalt  }
0x80: {  	_ =	shalt  }
0x81: {  	_ =	shalt  }
0x82: {  	_ =	shalt  }
0x83: {  	_ =	shalt  }
0x84: {  	_ =	shalt  }
0x85: {  	_ =	shalt  }
0x86: {  	_ =	shalt  }
0x87: {  	_ =	shalt  }
.Lfunc_end0:
.L_simem_size_0:
called_computation_lowered:
.L_overlay_start_0:
0x88: {  	s2 =	sld [smem:$0x3FD9]  }
0x89: {  	s3 =	sld [smem:$0x3FFE];
	_ =	sdelay $0x1  }
0x8a: {  	s1 =	srdreg.scid  }
0x8b: {  	s0 =	sand.u32 $0x1, s1  }
0x8c: {  	s17 =	sshll.u32 s0, $0xA;
	s2 =	sadd.s32 s3, s2  }
0x8d: {  	s2 =	sadd.s32 s2, s17  }
0x8e: {  	[smem:$0x3FC4] =	sst s2  }
0x8f: {  	_ = 	snop  }
0x90: {  	s2 =	sld [smem:$0x3FC9]  }
0x91: {  	s18 =	sld [smem:$0x3FC8]  }
0x92: {  	s4 =	sld [smem:$0x3FC7];
	(tm) =	ssettm $0x1  }
0x93: {  	s5 =	sld [smem:$0x3FFB];
	_ =	sdelay $0x3  }
0x94: {  	_ =	strace s5  }
0x95: {  	s5 =	sld [smem:$0x3FFC];
	_ =	sdelay $0x3  }
0x96: {  	_ =	strace s5  }
0x97: {  	s5 =	sld [smem:$0x3FFD];
	_ =	sdelay $0x3  }
0x98: {  	_ =	strace s5  }
0x99: {  	_ =	strace $0x8FFFFFFF  }
0x9a: {  	s19 =	sld [smem:$0x3FDB];
	_ =	sdelay $0x1  }
0x9b: {  	s6 =	simm.s32 $_scs_section_size  }
0x9c: {  	s7 =	simm.s32 $_size__tile_overlayer_lowered;
	s8 =	simm.s32 $_tile_overlayer_lowered  }
0x9d: {  	s22 =	simm.s32 $0x1BFF;
	s21 =	sshll.u32 s8, $0x1;
	s5 =	sadd.s32 s6, s19  }
0x9e: {  	s9 =	simm.s32 $0x0;
	s20 =	sshll.u32 s7, $0x1;
	s7 =	sadd.s32 s21, s5  }
0x9f: {  	[timem:s9], [sflag:s22] =	dma.local [hbm:s7], s20  }
0xa0: {  	_ =	swait.ge [sflag:s22], s20  }
0xa1: {  	s6 =	ssub.s32 $0x0, s20;
	[sflag:s22] =	ssyncset.done $0x0  }
0xa2: {  	[sflag:s22] =	ssyncadd.s32 s6;
	_ =	sdelay $0x1  }
0xa3: {  	s23 =	simm.s32 $0x1B8B  }
0xa4: {  	_ =	swait.ge [sflag:s23], $0x1  }
0xa5: {  	[sflag:s23] =	ssyncset.done $0x0  }
0xa6: {  	s25 =	simm.s32 $0x1B8E;
	s24 =	sld [smem:$0x3FFE];
	[sflag:s23] =	ssyncadd.s32 $0xFFFFFFFF  }
0xa7: {  	s26 =	simm.s32 $execute0_lowered;
	[smem:$0x3FD2] =	sst s25  }
0xa8: {  	s7 =	sshll.u32 s26, $0x1;
	_ =	strace $0x80000046;
	[dreg:$0x1] =	wrdreg $0xFFFFFFFF  }
0xa9: {  	s28 =	simm.s32 $_size_execute0_lowered;
	s5 =	sadd.s32 s5, s7;
	[dreg:$0x0] =	wrdreg $0x0  }
0xaa: {  	s7 =	sshll.u32 s28, $0x1;
	[dreg:$0x2] =	wrdreg s5  }
0xab: {  	[dreg:$0x3] =	wrdreg s7  }
0xac: {  	[dreg:$0x4] =	wrdreg $0xC0  }
0xad: {  	_ =	task [dreg:s9], $0x5FFFF  }
0xae: {  	[dreg:$0x1] =	wrdreg $0xFFFFFFFF  }
0xaf: {  	[dreg:$0x0] =	wrdreg $0x60  }
0xb0: {  	[dreg:$0x2] =	wrdreg s2  }
0xb1: {  	[dreg:$0x3] =	wrdreg s18  }
0xb2: {  	[dreg:$0x4] =	wrdreg s4  }
0xb3: {  	[dreg:$0x5] =	wrdreg s24  }
0xb4: {  	[dreg:$0x6] =	wrdreg $0x0  }
0xb5: {  	[dreg:$0x7] =	wrdreg $0x32100  }
0xb6: {  	[dreg:$0x8] =	wrdreg $0x32000  }
0xb7: {  	[dreg:$0x9] =	wrdreg $0x9  }
0xb8: {  	_ =	task.clear_ibuf [dreg:s9], $0xAFFFF;
	_ =	strace $0x90000046  }
0xb9: {  	s29 =	simm.s32 $0x9;
	_ =	strace $0x80000048  }
0xba: {  	_ =	swait.ge [sflag:s29], $0x1  }
0xbb: {  	[sflag:s29] =	ssyncadd.s32 $0xFFFFFFFF  }
0xbc: {  	_ =	strace $0x90000048  }
0xbd: {  	_ =	sfence  }
0xbe: {  	s30 =	sld [smem:$0x0];
	_ =	sdelay $0x2  }
0xbf: {  	s31 =	sshll.u32 s1, $0xD;
	s1 =	sshrl.u32 s1, $0x2  }
0xc0: {  	s3 =	sand.u32 $0x4000, s31;
	s1 =	sadd.s32 s1, s30  }
0xc1: {  	s0 =	sor.u32 s3, s0;
	s1 =	sshll.u32 s1, $0x11  }
0xc2: {  	s0 =	sor.u32 s1, s0  }
0xc3: {  	s0 =	sadd.s32 $0x8F2B, s0  }
0xc4: {  	[sflag:s0] =	ssyncadd.remote.s32 $0x1  }
0xc5: {  	_ =	sfence.sel $0xFFFF  }
0xc6: {  	[dreg:$0x0] =	wrdreg $0xFFFFFFFF;
	(pc) =	sbr.abs _section_cstart, $3  }
0xc7: {  	[dreg:$0x1] =	wrdreg $0xFFFFFFFF  }
0xc8: {  	_ =	task.clear_ibuf [dreg:s9], $0x2FFFF;
	_ =	strace $0x9FFFFFFF  }
0xc9: {  	(tm) =	ssettm $0x7FFFFFFF  }
tec
execute0_lowered:
.L_overlay_start_1:
0x0: {  	(tag) =	ssettag $0x1  }
0x1: {  	s0 =	rddreg [dreg:$0x0]  }
0x2: {  	s1 =	rddreg [dreg:$0x1]  }
0x3: {  	s2 =	rddreg [dreg:$0x2]  }
0x4: {  	s5 =	rddreg [dreg:$0x3]  }
0x5: {  	s3 =	rddreg [dreg:$0x4]  }
0x6: {  	s4 =	rddreg [dreg:$0x5]  }
0x7: {  	s18 =	rddreg [dreg:$0x6];
	s6 =	simm.s32 $0x0;
	s7 =	srdreg.scid  }
0x8: {  	s26 =	stileid.u32;
	s19 =	simm.s32 $0x7210;
	s29 =	simm.s32 $0xC7B0  }
0x9: {  	s30 =	simm.s32 $0x1;
	s31 =	simm.s32 $0xC590;
	[smem:$0x7FF] =	sst s6  }
0xa: {  	s7 =	sand.u32 $0x1, s7;
	s8 =	sadd.s32 $0x186E00, s5;
	s5 =	sadd.s32 $0x400, s5  }
0xb: {  	s11 =	smul.u32 $0xC800, s26;
	s20 =	sshll.u32 s26, $0x1;
	s21 =	sshll.u32 s26, $0x8  }
0xc: {  	s14 =	sshll.u32 s26, $0xE;
	s17 =	sshll.u32 s26, $0x5;
	s23 =	sshll.u32 s26, $0x4  }
0xd: {  	p0 =	seq.s32 s26, $0xF;
	p2 =	sgt.u32 s26, $0x5;
	p3 =	sgt.u32 s26, $0x4  }
0xe: {  	p4 =	sgt.u32 s26, $0x3;
	p5 =	sgt.u32 s26, $0x2;
	p6 =	sgt.u32 s26, $0x1  }
0xf: {  	_ =	strace $0x80000047;
	s9 =	ssub.s32 $0x2, s7;
	s15 =	sor.u32 s7, s20  }
0x10: {  	s13 =	sor.u32 $0x80, s21;
	s17 =	sadd.s32 s1, s17;
	s7 =	sshll.u32 s7, $0x12  }
0x11: {  	s20 =	simm.s32 $0x2;
	s16 =	sshll.u32 s13, $0x6;
	s13 =	sshrl.u32 s13, $0x3  }
0x12: {  	s21 =	simm.s32 $0xA590;
	s10 =	sshrl.u32 s9, $0x1;
	s1 =	sadd.s32 s1, s13  }
0x13: {  	s22 =	sshrl.u32 s11, $0x2;
	[dreg:$0x9] =	wrdreg s1;
	s1 =	simm.s32 @!p0 $0x0  }
0x14: {  	[dreg:$0x8] =	wrdreg s17;
	s1 =	simm.s32 @p0 $0x1;
	p0 =	sgt.u32 s26, $0xD  }
0x15: {  	s24 =	sor.u32 s14, s7;
	[smem:$0x7F5] =	sst s1;
	s1 =	simm.s32 @!p0 $0x0  }
0x16: {  	s15 =	smul.u32 $0x1900, s15;
	s1 =	simm.s32 @p0 $0x1;
	p0 =	sgt.u32 s26, $0xC  }
0x17: {  	s12 =	ssub.s32 s9, s10;
	[smem:$0x7F6] =	sst s1;
	s1 =	simm.s32 @!p0 $0x0  }
0x18: {  	s9 =	sadd.s32 s22, s3;
	s1 =	simm.s32 @p0 $0x1;
	p0 =	sgt.u32 s26, $0xB  }
0x19: {  	s10 =	sadd.s32 s14, s4;
	[smem:$0x7F7] =	sst s1;
	s1 =	simm.s32 @!p0 $0x0  }
0x1a: {  	s11 =	sadd.s32 s16, s4;
	s1 =	simm.s32 @p0 $0x1;
	p0 =	sgt.u32 s26, $0xA  }
0x1b: {  	s14 =	sadd.s32 s23, s18;
	[smem:$0x7F8] =	sst s1;
	s1 =	simm.s32 @!p0 $0x0  }
0x1c: {  	s25 =	sshrl.u32 s24, $0x3;
	s1 =	simm.s32 @p0 $0x1;
	p0 =	sgt.u32 s26, $0x9  }
0x1d: {  	s7 =	sor.u32 s7, s16;
	[smem:$0x7F9] =	sst s1;
	s1 =	simm.s32 @!p0 $0x0  }
0x1e: {  	s22 =	simm.s32 $0xA410;
	s1 =	simm.s32 @p0 $0x1;
	p0 =	sgt.u32 s26, $0x8  }
0x1f: {  	s23 =	simm.s32 $0xA490;
	[smem:$0x7FA] =	sst s1;
	s1 =	simm.s32 @!p0 $0x0  }
0x20: {  	s24 =	simm.s32 $0x80;
	s1 =	simm.s32 @p0 $0x1;
	p0 =	sgt.u32 s26, $0x7  }
0x21: {  	s16 =	sadd.s32 s5, s25;
	[smem:$0x7FB] =	sst s1;
	s1 =	simm.s32 @!p0 $0x0  }
0x22: {  	s28 =	sshrl.u32 s7, $0x3;
	s1 =	simm.s32 @p0 $0x1;
	p0 =	sgt.u32 s26, $0x6  }
0x23: {  	s18 =	smax.u32 s12, $0x1;
	[smem:$0x7FC] =	sst s1;
	s1 =	simm.s32 @!p0 $0x0  }
0x24: {  	s25 =	simm.s32 $0xA510;
	s17 =	sadd.s32 s5, s28;
	s1 =	simm.s32 @p0 $0x1  }
0x25: {  	v0 =	vimm.s32 $0x0;
	v1 =	vimm.f32 $0.0e+00;
	v2 =	vimm.s32 $0x1;
	p0 =	seq.s32 s26, $0x0;
	[smem:$0x7FD] =	sst s1;
	s1 =	simm.s32 $0xC620  }
.LBB2_1:
0x26: {  	s5 =	simm.s32 $0x40;
	s7 =	simm.s32 $0x0  }
.LBB2_2:
0x27: {  	p1 =	sne.s32 s5, $0xC7C0;
	[tilespmem:s7+$0x7210] =	vst v0;
	s7 =	smov.u32 s5;
	s5 =	sadd.s32 $0x40, s5  }
.Ltmp0:
0x28: {  	(pc) =	sbr.rel @p1 .LBB2_2-.Ltmp0, $2  }
0x29: {  	_ =	sdelay $0x2  }
0x2a: {  	s7 =	sshra.s32 s7, $0x2  }
0x2b: {  	[tilespmem:s7+$0x7210] =	vst v0  }
0x2c: {  	[spmem:s9] =	stream.linear.scatter [tilespmem:s19], [sflag:$0x2], $0x3200, $0x38;
	[tilespmem:$0xC830] =	vst v63  }
0x2d: {  	_ =	swait.ge [sflag:s20], $0x3200  }
0x2e: {  	[sflag:s20] =	ssyncset.done $0x0  }
0x2f: {  	s7 =	simm.s32 $0x100;
	s5 =	simm.s32 $0x0;
	[sflag:s20] =	ssyncadd.s32 $0xFFFFCE00  }
.LBB2_4:
0x30: {  	p1 =	sne.s32 s7, $0x7F00;
	[tilespmem:s5+$0xA5C0] =	vst v1;
	s12 =	smov.u32 s7;
	s7 =	sadd.s32 $0x100, s7  }
.Ltmp1:
0x31: {  	[tilespmem:s5+$0xA5B0] =	vst v1;
	(pc) =	sbr.rel @p1 .LBB2_4-.Ltmp1, $3  }
0x32: {  	[tilespmem:s5+$0xA590] =	vst v1  }
0x33: {  	[tilespmem:s5+$0xA5A0] =	vst v1;
	_ =	sdelay $0x1  }
0x34: {  	s5 =	sshra.s32 s12, $0x2  }
0x35: {  	[tilespmem:s5+$0xA5C0] =	vst v1  }
0x36: {  	[tilespmem:s5+$0xA5B0] =	vst v1  }
0x37: {  	[tilespmem:s5+$0xA590] =	vst v1  }
0x38: {  	[tilespmem:s5+$0xA5A0] =	vst v1  }
0x39: {  	[spmem:s10] =	stream.linear.scatter [tilespmem:s21], [sflag:$0x2], $0x2000, $0x38;
	[tilespmem:$0xC830] =	vst v63  }
0x3a: {  	_ =	swait.ge [sflag:s20], $0x2000  }
0x3b: {  	[sflag:s20] =	ssyncset.done $0x0  }
0x3c: {  	[sflag:s20] =	ssyncadd.s32 $0xFFFFE000  }
0x3d: {  	[spmem:s11] =	stream.linear.scatter [tilespmem:s21], [sflag:$0x2], $0x2000, $0x38;
	[tilespmem:$0xC830] =	vst v63  }
0x3e: {  	_ =	swait.ge [sflag:s20], $0x2000  }
0x3f: {  	[sflag:s20] =	ssyncset.done $0x0  }
0x40: {  	s13 =	simm.s32 $0x0;
	s7 =	rddreg [dreg:$0x8];
	[sflag:s20] =	ssyncadd.s32 $0xFFFFE000  }
0x41: {  	[tilespmem:s22], [sflag:$0x2] =	stream.linear.gather [hbm4b:s7+s13], $0x80, $0x38;
	[tilespmem:$0xC830] =	vst v63  }
0x42: {  	_ =	swait.ge [sflag:s20], $0x80  }
0x43: {  	[sflag:s20] =	ssyncset.done $0x0  }
0x44: {  	s26 =	rddreg [dreg:$0x9];
	[sflag:s20] =	ssyncadd.s32 $0xFFFFFF80  }
0x45: {  	[tilespmem:s23], [sflag:$0x2] =	stream.linear.gather [hbm4b:s26+s13], $0x80, $0x38;
	[tilespmem:$0xC830] =	vst v63  }
0x46: {  	_ =	swait.ge [sflag:s20], $0x80  }
0x47: {  	[sflag:s20] =	ssyncset.done $0x0  }
0x48: {  	[sflag:s20] =	ssyncadd.s32 $0xFFFFFF80  }
0x49: {  	[tilespmem:$0xA510] =	vst v2  }
0x4a: {  	[tilespmem:$0xA520] =	vst v2  }
0x4b: {  	[tilespmem:$0xA530] =	vst v2  }
0x4c: {  	[tilespmem:$0xA540] =	vst v2  }
0x4d: {  	[tilespmem:$0xA550] =	vst v2  }
0x4e: {  	[tilespmem:$0xA560] =	vst v2  }
0x4f: {  	[tilespmem:$0xA570] =	vst v2  }
0x50: {  	[tilespmem:$0xA580] =	vst v2  }
0x51: {  	[bflag:$0x0] =	sbarrier.arrive $0xFFFF  }
0x52: {  	[spmem:s3] =	stream.indirect.scatter.add.s32 [tilespmem:s25], [sflag:$0x2], $0x1, s22, s24, $0xb8;
	[tilespmem:$0xC830] =	vst v63  }
0x53: {  	_ =	swait.ge [sflag:s20], $0x80  }
0x54: {  	[sflag:s20] =	ssyncset.done $0x0  }
0x55: {  	[sflag:s20] =	ssyncadd.s32 $0xFFFFFF80  }
0x56: {  	[spmem:s3] =	stream.indirect.scatter.add.s32 [tilespmem:s25], [sflag:$0x2], $0x1, s23, s24, $0xb8;
	[tilespmem:$0xC830] =	vst v63  }
0x57: {  	_ =	swait.ge [sflag:s20], $0x80  }
0x58: {  	[sflag:s20] =	ssyncset.done $0x0  }
0x59: {  	[sflag:s20] =	ssyncadd.s32 $0xFFFFFF80  }
0x5a: {  	[bflag:$0x0] =	sbarrier.arrive $0xFFFF  }
0x5b: {  	[tilespmem:s19], [sflag:$0x2] =	stream.linear.gather [spmem:s9], $0x3200, $0x38;
	[tilespmem:$0xC830] =	vst v63  }
0x5c: {  	_ =	swait.ge [sflag:s20], $0x3200  }
0x5d: {  	[sflag:s20] =	ssyncset.done $0x0  }
0x5e: {  	s28 =	simm.s32 $0x0;
	[sflag:s20] =	ssyncadd.s32 $0xFFFFCE00  }
0x5f: {  	v3 =	vld [tilespmem:s28+$0x7210];
	_ =	sdelay $0x4  }
0x60: {  	(xrf0) =	vadd.scan.msk.s32 $0xffff, v3;
	_ =	sdelay $0x5  }
0x61: {  	v3, _, _ =	vpop (xrf0)  }
0x62: {  	v3 =	vadd.s32 s13, v3  }
0x63: {  	(v2sf) =	vpush v3, $0xF;
	_ =	sdelay $0x2  }
0x64: {  	s5 =	simm.s32 $0x10;
	s7 =	simm.s32 $0x80;
	[tilespmem:s28+$0x7210] =	vst v3  }
.LBB2_6:
0x65: {  	p1 =	sne.s32 s7, $0xC7C0;
	v3 =	vld [tilespmem:s5+$0x7210];
	_ =	sdelay $0x4  }
0x66: {  	(xrf0) =	vadd.scan.msk.s32 $0xffff, v3;
	_ =	sdelay $0x5  }
0x67: {  	v3, _, _ =	vpop (xrf0);
	s12 =	spop (v2sf)  }
.Ltmp2:
0x68: {  	v3 =	vadd.s32 s12, v3;
	(pc) =	sbr.rel @p1 .LBB2_6-.Ltmp2, $2  }
0x69: {  	[tilespmem:s5+$0x7210] =	vst v3;
	(v2sf) =	vpush v3, $0xF;
	_ =	sdelay $0x2  }
0x6a: {  	s5 =	sshra.s32 s7, $0x2;
	s7 =	sadd.s32 $0x40, s7  }
0x6b: {  	v3 =	vld [tilespmem:s5+$0x7210];
	_ =	sdelay $0x4  }
0x6c: {  	(xrf0) =	vadd.scan.msk.s32 $0xffff, v3;
	_ =	sdelay $0x5  }
0x6d: {  	v3, _, _ =	vpop (xrf0);
	s7 =	spop (v2sf)  }
0x6e: {  	v3 =	vadd.s32 s7, v3  }
0x6f: {  	(v2sf) =	vpush v3, $0xF;
	_ =	sdelay $0xc  }
0x70: {  	[tilespmem:s5+$0x7210] =	vst v3  }
0x71: {  	[spmem:s9] =	stream.linear.scatter [tilespmem:s19], [sflag:$0x2], $0x3200, $0x38;
	[tilespmem:$0xC830] =	vst v63  }
0x72: {  	s7 =	spop (v2sf)  }
0x73: {  	_ =	swait.ge [sflag:s20], $0x3200  }
0x74: {  	v3 =	vbroadcast v3, $0xF;
	[sflag:s20] =	ssyncset.done $0x0  }
0x75: {  	[sflag:s20] =	ssyncadd.s32 $0xFFFFCE00  }
0x76: {  	s5 =	simm.s32 $0xC7A0;
	[tilespmem:$0xC7A0] =	vst v3  }
0x77: {  	[spmem:s14] =	stream.linear.scatter [tilespmem:s5], [sflag:$0x2], $0x10, $0x38;
	[tilespmem:$0xC830] =	vst v63  }
0x78: {  	_ =	swait.ge [sflag:s20], $0x10  }
0x79: {  	[sflag:s20] =	ssyncset.done $0x0  }
0x7a: {  	[sflag:s20] =	ssyncadd.s32 $0xFFFFFFF0  }
0x7b: {  	[bflag:$0x0] =	sbarrier.arrive $0xFFFF  }
0x7c: {  	s13 =	simm.s32 $0xC6A0;
	s12 =	rddreg [dreg:$0x6]  }
0x7d: {  	[tilespmem:s13], [sflag:$0x2] =	stream.linear.gather [spmem:s12], $0x100, $0x38;
	[tilespmem:$0xC830] =	vst v63  }
0x7e: {  	_ =	swait.ge [sflag:s20], $0x100  }
0x7f: {  	[sflag:s20] =	ssyncset.done $0x0  }
0x80: {  	[sflag:s20] =	ssyncadd.s32 $0xFFFFFF00  }
0x81: {  	v3 =	vld [tilespmem:$0xC6A0]  }
0x82: {  	v4 =	vld [tilespmem:$0xC6B0]  }
0x83: {  	v5 =	vld [tilespmem:$0xC6C0];
	_ =	sdelay $0x1  }
0x84: {  	v6 =	vld [tilespmem:$0xC6D0]  }
0x85: {  	(v2sf) =	vpush v3, $0x0;
	v3 =	vld [tilespmem:$0xC6E0]  }
0x86: {  	(v2sf) =	vpush v4, $0x0;
	v4 =	vld [tilespmem:$0xC6F0]  }
0x87: {  	(v2sf) =	vpush v5, $0x0;
	v5 =	vld [tilespmem:$0xC700];
	_ =	sdelay $0x1  }
0x88: {  	(v2sf) =	vpush v6, $0x0  }
0x89: {  	v7 =	vld [tilespmem:$0xC710];
	(v2sf) =	vpush v3, $0x0  }
0x8a: {  	(v2sf) =	vpush v4, $0x0  }
0x8b: {  	(v2sf) =	vpush v5, $0x0  }
0x8c: {  	v61 =	vld [tilespmem:$0xC720];
	_ =	sdelay $0x1  }
0x8d: {  	(v2sf) =	vpush v7, $0x0  }
0x8e: {  	v3 =	vld [tilespmem:$0xC730];
	_ =	sdelay $0x1  }
0x8f: {  	(v2sf) =	vpush v61, $0x0  }
0x90: {  	v4 =	vld [tilespmem:$0xC740];
	_ =	sdelay $0x1  }
0x91: {  	v5 =	vld [tilespmem:$0xC750];
	(v2sf) =	vpush v3, $0x0;
	s26 =	spop (v2sf)  }
0x92: {  	s13 =	sld [smem:$0x7FD];
	v62 =	vld [tilespmem:$0xC760];
	s7 =	spop (v2sf)  }
0x93: {  	s28 =	sld [smem:$0x7FC];
	s5 =	sadd.s32 $0xFFFFFFFF, s26;
	s12 =	spop (v2sf)  }
0x94: {  	v63 =	vld [tilespmem:$0xC770];
	(v2sf) =	vpush v4, $0x0;
	s7 =	simm.s32 @!p6 $0x0;
	s5 =	simm.s32 @p0 $0xFFFFFFFF;
	s26 =	spop (v2sf)  }
0x95: {  	v3 =	vld [tilespmem:$0xC780];
	s12 =	simm.s32 @!p5 $0x0;
	s5 =	sadd.s32 s7, s5;
	s7 =	spop (v2sf)  }
0x96: {  	(v2sf) =	vpush v5, $0x0;
	s26 =	simm.s32 @!p4 $0x0;
	s5 =	sadd.s32 s12, s5;
	s12 =	spop (v2sf)  }
0x97: {  	p1 =	seq.s32 s13, $0x1;
	(v2sf) =	vpush v62, $0x0;
	s5 =	sadd.s32 s26, s5;
	s26 =	spop (v2sf)  }
0x98: {  	s26 =	simm.s32 @!p1 $0x0;
	p1 =	seq.s32 s28, $0x1;
	s28 =	sld [smem:$0x7FB]  }
0x99: {  	(v2sf) =	vpush v63, $0x0;
	s7 =	simm.s32 @!p3 $0x0  }
0x9a: {  	(v2sf) =	vpush v3, $0x0;
	s5 =	sadd.s32 s7, s5;
	s7 =	spop (v2sf)  }
0x9b: {  	s7 =	simm.s32 @!p1 $0x0;
	p1 =	seq.s32 s28, $0x1;
	s28 =	sld [smem:$0x7FA]  }
0x9c: {  	s12 =	simm.s32 @!p2 $0x0  }
0x9d: {  	s5 =	sadd.s32 s12, s5;
	s12 =	spop (v2sf)  }
0x9e: {  	s12 =	simm.s32 @!p1 $0x0;
	p1 =	seq.s32 s28, $0x1;
	s28 =	sld [smem:$0x7F9]  }
0x9f: {  	_ = 	snop  }
0xa0: {  	s5 =	sadd.s32 s26, s5;
	s26 =	spop (v2sf)  }
0xa1: {  	s26 =	simm.s32 @!p1 $0x0;
	p1 =	seq.s32 s28, $0x1;
	s28 =	sld [smem:$0x7F8]  }
0xa2: {  	s5 =	sadd.s32 s7, s5  }
0xa3: {  	s7 =	spop (v2sf);
	s5 =	sadd.s32 s12, s5  }
0xa4: {  	s7 =	simm.s32 @!p1 $0x0;
	p1 =	seq.s32 s28, $0x1;
	s28 =	sld [smem:$0x7F7]  }
0xa5: {  	s12 =	spop (v2sf);
	s5 =	sadd.s32 s26, s5  }
0xa6: {  	s13 =	sld [smem:$0x7F6];
	s26 =	spop (v2sf);
	s5 =	sadd.s32 s7, s5  }
0xa7: {  	s12 =	simm.s32 @!p1 $0x0;
	p1 =	seq.s32 s28, $0x1;
	s28 =	sld [smem:$0x7F5]  }
0xa8: {  	s7 =	spop (v2sf);
	s5 =	sadd.s32 s12, s5  }
0xa9: {  	s12 =	spop (v2sf);
	s26 =	simm.s32 @!p1 $0x0;
	p1 =	seq.s32 s13, $0x1  }
0xaa: {  	s7 =	simm.s32 @!p1 $0x0;
	s5 =	sadd.s32 s26, s5;
	p1 =	seq.s32 s28, $0x1  }
0xab: {  	s5 =	sadd.s32 s7, s5;
	s12 =	simm.s32 @!p1 $0x0  }
0xac: {  	s5 =	sadd.s32 s12, s5  }
0xad: {  	s26 =	simm.s32 $0x0;
	v3 =	vmov s5;
	s5 =	simm.s32 $0x0  }
.LBB2_8:
0xae: {  	s7 =	sshll.u32 s26, $0x7  }
0xaf: {  	s7 =	sadd.s32 s15, s7  }
0xb0: {  	s12 =	sshrl.u32 s7, $0x3  }
0xb1: {  	s28 =	sadd.s32 s0, s12  }
0xb2: {  	[tilespmem:s29], [sflag:$0x2] =	stream.linear.gather [hbm4b:s28+s5], $0x80, $0x38;
	[tilespmem:$0xC830] =	vst v63  }
0xb3: {  	_ =	swait.ge [sflag:s20], $0x80  }
0xb4: {  	[sflag:s20] =	ssyncset.done $0x0  }
0xb5: {  	[sflag:s20] =	ssyncadd.s32 $0xFFFFFF80  }
0xb6: {  	[tilespmem:s21], [sflag:$0x1] =	stream.indirect.gather [hbm4b:s8+s24], $0x40, s29, s24, $0xb8;
	[tilespmem:$0xC830] =	vst v63  }
0xb7: {  	_ =	swait.ge [sflag:s30], $0x2000  }
0xb8: {  	[sflag:s30] =	ssyncset.done $0x0  }
0xb9: {  	s12 =	sadd.s32 s2, s12;
	[sflag:s30] =	ssyncadd.s32 $0xFFFFE000  }
0xba: {  	[tilespmem:s31], [sflag:$0x2] =	stream.linear.gather [hbm4b:s12+s5], $0x80, $0x38;
	[tilespmem:$0xC830] =	vst v63  }
0xbb: {  	_ =	swait.ge [sflag:s20], $0x80  }
0xbc: {  	[sflag:s20] =	ssyncset.done $0x0  }
0xbd: {  	s7 =	sadd.s32 s7, s3;
	[sflag:s20] =	ssyncadd.s32 $0xFFFFFF80  }
0xbe: {  	[tilespmem:s1], [sflag:$0x2] =	stream.linear.gather [spmem:s7], $0x80, $0x38;
	[tilespmem:$0xC830] =	vst v63  }
0xbf: {  	_ =	swait.ge [sflag:s20], $0x80  }
0xc0: {  	[sflag:s20] =	ssyncset.done $0x0  }
0xc1: {  	[sflag:s20] =	ssyncadd.s32 $0xFFFFFF80  }
0xc2: {  	v4 =	vld [tilespmem:$0xC620]  }
0xc3: {  	v5 =	vld [tilespmem:$0xC630]  }
0xc4: {  	v6 =	vld [tilespmem:$0xC640]  }
0xc5: {  	v7 =	vld [tilespmem:$0xC650]  }
0xc6: {  	v8 =	vld [tilespmem:$0xC660]  }
0xc7: {  	v9 =	vld [tilespmem:$0xC670];
	v4 =	vadd.s32 v3, v4  }
0xc8: {  	[tilespmem:$0xC620] =	vst v4;
	v4 =	vadd.s32 v3, v5;
	v5 =	vld [tilespmem:$0xC680]  }
0xc9: {  	[tilespmem:$0xC630] =	vst v4;
	v4 =	vadd.s32 v3, v6;
	v6 =	vld [tilespmem:$0xC690]  }
0xca: {  	[tilespmem:$0xC640] =	vst v4;
	v4 =	vadd.s32 v3, v7  }
0xcb: {  	[tilespmem:$0xC650] =	vst v4;
	v4 =	vadd.s32 v3, v8  }
0xcc: {  	[tilespmem:$0xC660] =	vst v4;
	v4 =	vadd.s32 v3, v9  }
0xcd: {  	[tilespmem:$0xC670] =	vst v4;
	v4 =	vadd.s32 v3, v5  }
0xce: {  	[tilespmem:$0xC680] =	vst v4;
	v4 =	vadd.s32 v3, v6  }
0xcf: {  	s28 =	simm.s32 $0xA5B0;
	[tilespmem:$0xC690] =	vst v4  }
0xd0: {  	v4 =	vld [tilespmem:s28+$0xFFFFFFF0]  }
0xd1: {  	s13 =	simm.s32 $0x0;
	v6 =	vld [tilespmem:s28+$0x10]  }
0xd2: {  	v8 =	vld.msk [tilespmem:s13+$0xC590 ss:$0x0], $0xffff  }
0xd3: {  	v5 =	vld [tilespmem:s28+$0xFFFFFFE0]  }
0xd4: {  	v63 =	vld [tilespmem:s28+$0x0];
	_ =	sdelay $0x3  }
0xd5: {  	v5 =	vmul.f32 v8, v5;
	v7 =	vmul.f32 v6, v8  }
0xd6: {  	s12 =	simm.s32 $0xA5B0;
	s7 =	simm.s32 $0x4;
	v6 =	vmul.f32 v4, v8;
	v4 =	vmul.f32 v63, v8  }
.LBB2_9:
0xd7: {  	p1 =	sne.s32 s7, $0x1FC  }
0xd8: {  	[tilespmem:s28+$0x10] =	vst v7;
	s12 =	sadd.s32 $0x40, s12;
	s13 =	smov.u32 s7;
	s7 =	sadd.s32 $0x4, s7  }
0xd9: {  	[tilespmem:s28+$0xFFFFFFE0] =	vst v5  }
0xda: {  	v8 =	vld [tilespmem:s12+$0xFFFFFFF0];
	[tilespmem:s28+$0xFFFFFFF0] =	vst v6  }
0xdb: {  	s13 =	sshra.s32 s13, $0x2;
	v6 =	vld [tilespmem:s12+$0x10];
	[tilespmem:s28+$0x0] =	vst v4;
	s28 =	smov.u32 s12  }
0xdc: {  	v4 =	vld.msk [tilespmem:s13+$0xC590 ss:$0x0], $0xffff  }
0xdd: {  	v5 =	vld [tilespmem:s12+$0xFFFFFFE0]  }
0xde: {  	v9 =	vld [tilespmem:s12+$0x0]  }
.Ltmp3:
0xdf: {  	(pc) =	sbr.rel @p1 .LBB2_9-.Ltmp3, $3  }
0xe0: {  	_ =	sdelay $0x1  }
0xe1: {  	v7 =	vmul.f32 v6, v4;
	v5 =	vmul.f32 v4, v5  }
0xe2: {  	v6 =	vmul.f32 v8, v4;
	v4 =	vmul.f32 v9, v4  }
0xe3: {  	[tilespmem:s28+$0x10] =	vst v7  }
0xe4: {  	[tilespmem:s28+$0xFFFFFFE0] =	vst v5;
	s26 =	sadd.s32 $0x1, s26  }
0xe5: {  	[tilespmem:s28+$0xFFFFFFF0] =	vst v6;
	p1 =	sne.s32 s26, $0x32  }
.Ltmp4:
0xe6: {  	[tilespmem:s28+$0x0] =	vst v4;
	(pc) =	sbr.rel @p1 .LBB2_8-.Ltmp4, $4  }
0xe7: {  	[spmem:s4] =	stream.indirect.scatter.add.f32 [tilespmem:s21], [sflag:$0x2], $0x40, s1, s24, $0xb8;
	[tilespmem:$0xC830] =	vst v63  }
0xe8: {  	_ =	swait.ge [sflag:s20], $0x2000  }
0xe9: {  	[sflag:s20] =	ssyncset.done $0x0  }
0xea: {  	[sflag:s20] =	ssyncadd.s32 $0xFFFFE000  }
0xeb: {  	s5 =	stileid.u32  }
0xec: {  	s5 =	sshll.u32 s5, $0x6  }
0xed: {  	[bflag:$0x0] =	sbarrier.arrive $0xFFFF;
	s7 =	sshrl.u32 s10, $0x3;
	s5 =	sor.u32 $0x1C02, s5  }
0xee: {  	[hbm:s16], [sflag:s5] =	dma.local [spmem:s7], $0x400  }
0xef: {  	s6 =	sadd.s32 $0x1, s6;
	_ =	swait.ge [sflag:s20], $0x400  }
0xf0: {  	p1 =	sne.s32 s6, s18;
	[sflag:s20] =	ssyncset.done $0x0  }
.Ltmp5:
0xf1: {  	s28 =	sshrl.u32 s11, $0x3;
	[sflag:s20] =	ssyncadd.s32 $0xFFFFFC00;
	(pc) =	sbr.rel @p1 .LBB2_1-.Ltmp5, $4  }
0xf2: {  	[hbm:s17], [sflag:s5] =	dma.local [spmem:s28], $0x400  }
0xf3: {  	_ =	swait.ge [sflag:s20], $0x400  }
0xf4: {  	[sflag:s20] =	ssyncset.done $0x0  }
0xf5: {  	[sflag:s20] =	ssyncadd.s32 $0xFFFFFC00  }
0xf6: {  	_ =	sfence.sel $0x180000  }
0xf7: {  	[bflag:$0x0] =	sbarrier.arrive $0xFFFF  }
0xf8: {  	_ =	strace $0x90000047  }
0xf9: {  	s0 =	stileid.u32;
	[bflag:$0x2] =	sbarrier.arrive $0xFFFF  }
0xfa: {  	p0 =	sne.s32 s0, $0x0;
	s0 =	rddreg [dreg:$0x7]  }
0xfb: {  	s0 =	sadd.s32 @!p0 $0x100000, s0  }
0xfc: {  	[sflag:s0] =	ssyncadd.tile.s32 @!p0 $0x1;
	_ =	shalt  }
.Lfunc_end2:
_tile_overlayer_lowered:
.L_overlay_start_2:
0xfd: {  	(tag) =	ssettag $0x2  }
0xfe: {  	s0 =	rddreg [dreg:$0x0];
	s2 =	stileid.u32  }
0xff: {  	s1 =	rddreg [dreg:$0x1];
	p0 =	sne.s32 s2, $0x0  }
0x100: {  	s3 =	rddreg [dreg:$0x2];
	[bflag:$0x3] =	sbarrier.arrive $0xFFFF;
	s2 =	simm.s32 @!p0 $0x1C02  }
0x101: {  	[timem:s3], [sflag:s2] =	dma.local @!p0 [hbm:s0], s1  }
0x102: {  	s0 =	simm.s32 @!p0 $0x2  }
0x103: {  	_ =	swait.ge @!p0 [sflag:s0], s1  }
0x104: {  	s1 =	ssub.s32 @!p0 $0x0, s1;
	[sflag:s0] =	ssyncset.done @!p0 $0x0  }
0x105: {  	[sflag:s0] =	ssyncadd.s32 @!p0 s1  }
0x106: {  	[bflag:$0x3] =	sbarrier.arrive $0xFFFF  }
0x107: {  	_ =	shalt  }

</sc_bundles>
